<compile_context>
chip_gen: v7x
topology: tpu7x:2x2x1
jax: 0.10.2.dev20260603
libtpu: 0.0.44.dev20260713+nightly
codegen_flags: <defaults>
</compile_context>

<pallas_src>
import functools

import jax
import jax.numpy as jnp
from jax import lax
from jax.experimental import pallas as pl
from jax.experimental.pallas import tpu as pltpu
from jax.experimental.pallas import tpu_sc as plsc

N = 8388608
K = max(1, int(N * 0.01))
NBINS = 4096
NBINS_F = float(NBINS)

NC = 2
NS = 16
L = 16
NW = NC * NS
PER_W = N // NW
CHUNK = 4096
NCH = PER_W // CHUNK
NH = NCH // 2

ROWS = 8192
COLS = 1024
RB = 256
NSTEPS = ROWS // RB


def _sc_hist_body(probs_hbm, out_hbm, hist_v, buf_v, red_v, sem0, sem1):
    wid = lax.axis_index("s") * NC + lax.axis_index("c")
    base = wid * PER_W
    zeros = jnp.zeros((L,), jnp.float32)
    ones = jnp.ones((L,), jnp.float32)
    lane_off = lax.iota(jnp.int32, L) * NBINS

    def zero_body(j, carry):
        hist_v[pl.ds(j * L, L)] = zeros
        return carry

    lax.fori_loop(0, (L * NBINS) // L, zero_body, 0)

    def dma(chunk_idx, slot):
        sem = sem0 if slot == 0 else sem1
        return pltpu.make_async_copy(
            probs_hbm.at[pl.ds(base + chunk_idx * CHUNK, CHUNK)],
            buf_v.at[slot], sem)

    def process(slot):
        @plsc.parallel_loop(0, CHUNK // L, unroll=16)
        def body(i):
            p = buf_v[slot, pl.ds(i * L, L)]
            b = (p * NBINS_F).astype(jnp.int32)
            plsc.addupdate_scatter(hist_v, [b + lane_off], ones)

    dma(0, 0).start()
    dma(1, 1).start()

    def outer(h, carry):
        c0 = 2 * h
        dma(c0, 0).wait()
        process(0)

        @pl.when(c0 + 2 < NCH)
        def _():
            dma(c0 + 2, 0).start()

        dma(c0 + 1, 1).wait()
        process(1)

        @pl.when(c0 + 3 < NCH)
        def _():
            dma(c0 + 3, 1).start()

        return carry

    lax.fori_loop(0, NH, outer, 0)

    def red_body(jj, carry):
        s = hist_v[pl.ds(jj * L, L)]
        for l in range(1, L):
            s = s + hist_v[pl.ds(l * NBINS + jj * L, L)]
        red_v[pl.ds(jj * L, L)] = s
        return carry

    lax.fori_loop(0, NBINS // L, red_body, 0)
    pltpu.sync_copy(red_v, out_hbm.at[wid])


def _make_sc_hist():
    return pl.kernel(
        _sc_hist_body,
        mesh=plsc.VectorSubcoreMesh(core_axis_name="c", subcore_axis_name="s"),
        compiler_params=pltpu.CompilerParams(needs_layout_passes=False),
        out_type=jax.ShapeDtypeStruct((NW, NBINS), jnp.float32),
        scratch_types=[
            pltpu.VMEM((L * NBINS,), jnp.float32),
            pltpu.VMEM((2, CHUNK), jnp.float32),
            pltpu.VMEM((NBINS,), jnp.float32),
            pltpu.SemaphoreType.DMA,
            pltpu.SemaphoreType.DMA,
        ],
    )


def _tc_body(hist_ref, p_ref, c_ref, t_ref, out_ref, smem):
    step = pl.program_id(0)

    @pl.when(step == 0)
    def _():
        c2 = jnp.sum(hist_ref[...], axis=0)
        rr = lax.broadcasted_iota(jnp.int32, (32, 128), 0)
        cc = lax.broadcasted_iota(jnp.int32, (32, 128), 1)
        bidx = rr * 128 + cc
        row_tot = jnp.sum(c2, axis=1, keepdims=True)
        ii = lax.broadcasted_iota(jnp.int32, (32, 32), 0)
        jj = lax.broadcasted_iota(jnp.int32, (32, 32), 1)
        gt = (jj > ii).astype(jnp.float32)
        row_above = jnp.dot(gt, row_tot,
                            preferred_element_type=jnp.float32)
        c1 = lax.broadcasted_iota(jnp.int32, (128, 128), 0)
        c2i = lax.broadcasted_iota(jnp.int32, (128, 128), 1)
        mge = (c1 >= c2i).astype(jnp.float32)
        ws = jnp.dot(c2, mge,
                     preferred_element_type=jnp.float32)
        suffix = ws + row_above
        bsel = jnp.max(jnp.where(suffix >= float(K), bidx, -1))
        count_above = jnp.sum(jnp.where(bidx > bsel, c2, 0.0))
        count_b = jnp.sum(jnp.where(bidx == bsel, c2, 0.0))
        frac = (float(K) - count_above) / count_b
        smem[0] = 0.0
        smem[4] = bsel.astype(jnp.float32)
        smem[5] = frac

    p = p_ref[...]
    cf = c_ref[...]
    t = t_ref[...]
    logp = jnp.log(p)
    log1mp = jnp.log(1.0 - p)
    a = t * logp
    bb = t * log1mp
    d = a - bb
    bce_s = -0.9 * d - 0.05 * logp - 0.95 * log1mp
    conf_v = jnp.abs(cf - (1.0 - jnp.abs(p - t)))
    wbce = jnp.where(t == 0.0, 3.0, 1.0) * (-d - log1mp)
    binf = jnp.floor(p * NBINS_F)
    bf = smem[4]
    m = jnp.where(binf > bf, 1.0, jnp.where(binf == bf, smem[5], 0.0))
    smem[0] += jnp.sum(bce_s + 0.2 * conf_v + (float(N) / float(K)) * m * wbce)

    @pl.when(step == NSTEPS - 1)
    def _():
        out_ref[...] = jnp.full((1, 1), smem[0] / float(N), jnp.float32)


def kernel(probs, confidence, targets):
    hist = _make_sc_hist()(probs)
    hist3 = hist.reshape(NW, 32, 128)
    p2 = probs.reshape(ROWS, COLS)
    c2 = confidence.reshape(ROWS, COLS)
    t2 = targets.reshape(ROWS, COLS)
    out = pl.pallas_call(
        _tc_body,
        grid=(NSTEPS,),
        in_specs=[
            pl.BlockSpec((NW, 32, 128), lambda i: (0, 0, 0)),
            pl.BlockSpec((RB, COLS), lambda i: (i, 0)),
            pl.BlockSpec((RB, COLS), lambda i: (i, 0)),
            pl.BlockSpec((RB, COLS), lambda i: (i, 0)),
        ],
        out_specs=pl.BlockSpec((1, 1), lambda i: (0, 0)),
        out_shape=jax.ShapeDtypeStruct((1, 1), jnp.float32),
        scratch_shapes=[pltpu.SMEM((8,), jnp.float32)],
    )(hist3, p2, c2, t2)
    return out[0, 0]

# --- scband reference (transcript-rebuilt; emitter-appended) ---
"""Pipeline reference for scband-precision-focused-loss-3496103379310 (READ-ONLY COPY).

The authoritative reference and input builder live on the scoring server;
editing this copy changes nothing except your own understanding.
"""

import jax, jax.numpy as jnp
import numpy as np

TOP_PERCENTILE = 0.01
PRECISION_WEIGHT = 1.0
CONFIDENCE_WEIGHT = 0.2
SMOOTH_FACTOR = 0.1
N = 8388608


def setup_inputs(seed: int = 0) -> dict:
    key = jax.random.key(seed)
    k1, k2, k3 = jax.random.split(key, 3)
    probs = jax.random.uniform(k1, (N,), dtype=jnp.float32, minval=1e-6, maxval=1.0 - 1e-6)
    confidence = jax.random.uniform(k2, (N,), dtype=jnp.float32)
    targets = jax.random.uniform(k3, (N,), dtype=jnp.float32)
    return {"probs": probs, "confidence": confidence, "targets": targets}


def _bce(p, t):
    # elementwise binary cross entropy, matching F.binary_cross_entropy math
    return -(t * jnp.log(p) + (1.0 - t) * jnp.log(1.0 - p))


def reference(probs, confidence, targets):
    smooth_targets = targets * (1.0 - SMOOTH_FACTOR) + SMOOTH_FACTOR * 0.5
    bce_loss = jnp.mean(_bce(probs, smooth_targets))

    prediction_error = jnp.abs(probs - targets)
    expected_confidence = 1.0 - prediction_error
    confidence_loss = jnp.mean(jnp.abs(confidence - expected_confidence))

    # torch.sort(probs, descending=True)
    indices = jnp.argsort(-probs)
    sorted_probs = probs[indices]
    sorted_targets = targets[indices]

    k = max(1, int(N * TOP_PERCENTILE))
    top_probs = sorted_probs[:k]
    top_targets = sorted_targets[:k]
    top_loss_weights = jnp.where(top_targets == 0, 3.0, 1.0)
    top_bce = jnp.mean(top_loss_weights * _bce(top_probs, top_targets))

    total_loss = bce_loss + PRECISION_WEIGHT * top_bce + CONFIDENCE_WEIGHT * confidence_loss
    return total_loss

if __name__ == "__main__":
    import jax
    _d = setup_inputs()
    print(jax.jit(kernel)(*tuple(_d.values())))

</pallas_src>

<mosaic_0001>
#map = affine_map<(d0, d1) -> (0)>
#map1 = affine_map<(d0, d1) -> (0, 0)>
module attributes {stable_mosaic.version = 14 : i64} {
  func.func @_sc_hist_body(%arg0: i32, %arg1: i32, %arg2: memref<8388608xf32, #tpu.memory_space<hbm>>, %arg3: memref<32x4096xf32, #tpu.memory_space<hbm>>, %arg4: memref<65536xf32, #tpu.memory_space<vmem>>, %arg5: memref<2x4096xf32, #tpu.memory_space<vmem>>, %arg6: memref<4096xf32, #tpu.memory_space<vmem>>, %arg7: memref<!tpu.dma_semaphore, #tpu.memory_space<semaphore_mem>>, %arg8: memref<!tpu.dma_semaphore, #tpu.memory_space<semaphore_mem>>) attributes {dimension_semantics = [#tpu.dimension_semantics<core_parallel>, #tpu.dimension_semantics<subcore_parallel>], iteration_bounds = array<i64: 2, 16>, scalar_prefetch = 0 : i64, scratch_operands = 5 : i64, tpu.core_type = #tpu.core_type<sc_vector_subcore>, window_params = [{transform_indices = #map}, {transform_indices = #map1}]} {
    %mul3A = arith.constant 2 : i32
    %mul3A_0 = arith.muli %arg1, %mul3A : i32
    %add3A = arith.addi %mul3A_0, %arg0 : i32
    %mul3A_1 = arith.constant 262144 : i32
    %mul3A_2 = arith.muli %add3A, %mul3A_1 : i32
    %broadcast_in_dim3A = arith.constant 0.000000e+00 : f32
    %broadcast_in_dim3A_3 = vector.broadcast %broadcast_in_dim3A : f32 to vector<16xf32>
    %broadcast_in_dim3A_4 = arith.constant 1.000000e+00 : f32
    %broadcast_in_dim3A_5 = vector.broadcast %broadcast_in_dim3A_4 : f32 to vector<16xf32>
    %iota3A = tpu.iota {dimensions = array<i32: 0>} : vector<16xi32>
    %mul3A_6 = arith.constant 4096 : i32
    %mul3A_7 = vector.broadcast %mul3A_6 : i32 to vector<16xi32>
    %mul3A_8 = arith.muli %iota3A, %mul3A_7 : vector<16xi32>
    %scan3A = arith.constant 0 : i32
    %scan3A_9 = arith.constant 0 : i32
    %scan3A_10 = arith.constant 4096 : i32
    %scan3A_11 = arith.addi %scan3A_9, %scan3A_10 : i32
    %scan3A_12 = arith.constant 1 : i32
    scf.for %scan3A_47 = %scan3A_9 to %scan3A_11 step %scan3A_12  : i32 {
      %mul3A_48 = arith.constant 16 : i32
      %mul3A_49 = arith.muli %scan3A_47, %mul3A_48 : i32
      %swap3A = arith.index_cast %mul3A_49 : i32 to index
      %swap3A_50 = tpu.vector_load %arg4[%swap3A] {strides = array<i32>} : memref<65536xf32, #tpu.memory_space<vmem>>, vector<16xf32>,
      tpu.vector_store %arg4[%swap3A], %broadcast_in_dim3A_3 {strides = array<i32>} : memref<65536xf32, #tpu.memory_space<vmem>>, vector<16xf32>,
    }
    %scan3A_13 = arith.constant 4096 : i32
    %add3A_14 = arith.constant 0 : i32
    %add3A_15 = arith.addi %mul3A_2, %add3A_14 : i32
    %dma_start3A = arith.constant 0 : i32
    %dma_start3A_16 = arith.constant 0 : i32
    %dma_start3A_17 = tpu.memref_slice %arg5[%dma_start3A, %dma_start3A_16] : memref<2x4096xf32, #tpu.memory_space<vmem>> -> memref<1x4096xf32, #tpu.memory_space<vmem>>
    %dma_start3A_18 = tpu.memref_squeeze %dma_start3A_17 : memref<1x4096xf32, #tpu.memory_space<vmem>> -> memref<4096xf32, #tpu.memory_space<vmem>>
    %dma_start3A_19 = tpu.memref_slice %arg2[%add3A_15] : memref<8388608xf32, #tpu.memory_space<hbm>> -> memref<4096xf32, #tpu.memory_space<hbm>>
    %dma_start3A_20 = arith.constant 0 : i32
    %dma_start3A_21 = tpu.memref_slice %arg5[%dma_start3A, %dma_start3A_20] : memref<2x4096xf32, #tpu.memory_space<vmem>> -> memref<1x4096xf32, #tpu.memory_space<vmem>>
    %dma_start3A_22 = tpu.memref_squeeze %dma_start3A_21 : memref<1x4096xf32, #tpu.memory_space<vmem>> -> memref<4096xf32, #tpu.memory_space<vmem>>
    %dma_start3A_23 = tpu.memref_slice %arg2[%add3A_15] : memref<8388608xf32, #tpu.memory_space<hbm>> -> memref<4096xf32, #tpu.memory_space<hbm>>
    tpu.enqueue_dma source(%dma_start3A_23 : memref<4096xf32, #tpu.memory_space<hbm>>) target(%dma_start3A_22 : memref<4096xf32, #tpu.memory_space<vmem>>) target_semaphore(%arg7 : memref<!tpu.dma_semaphore, #tpu.memory_space<semaphore_mem>>)
    %add3A_24 = arith.constant 4096 : i32
    %add3A_25 = arith.addi %mul3A_2, %add3A_24 : i32
    %dma_start3A_26 = arith.constant 1 : i32
    %dma_start3A_27 = arith.constant 0 : i32
    %dma_start3A_28 = tpu.memref_slice %arg5[%dma_start3A_26, %dma_start3A_27] : memref<2x4096xf32, #tpu.memory_space<vmem>> -> memref<1x4096xf32, #tpu.memory_space<vmem>>
    %dma_start3A_29 = tpu.memref_squeeze %dma_start3A_28 : memref<1x4096xf32, #tpu.memory_space<vmem>> -> memref<4096xf32, #tpu.memory_space<vmem>>
    %dma_start3A_30 = tpu.memref_slice %arg2[%add3A_25] : memref<8388608xf32, #tpu.memory_space<hbm>> -> memref<4096xf32, #tpu.memory_space<hbm>>
    %dma_start3A_31 = arith.constant 0 : i32
    %dma_start3A_32 = tpu.memref_slice %arg5[%dma_start3A_26, %dma_start3A_31] : memref<2x4096xf32, #tpu.memory_space<vmem>> -> memref<1x4096xf32, #tpu.memory_space<vmem>>
    %dma_start3A_33 = tpu.memref_squeeze %dma_start3A_32 : memref<1x4096xf32, #tpu.memory_space<vmem>> -> memref<4096xf32, #tpu.memory_space<vmem>>
    %dma_start3A_34 = tpu.memref_slice %arg2[%add3A_25] : memref<8388608xf32, #tpu.memory_space<hbm>> -> memref<4096xf32, #tpu.memory_space<hbm>>
    tpu.enqueue_dma source(%dma_start3A_34 : memref<4096xf32, #tpu.memory_space<hbm>>) target(%dma_start3A_33 : memref<4096xf32, #tpu.memory_space<vmem>>) target_semaphore(%arg8 : memref<!tpu.dma_semaphore, #tpu.memory_space<semaphore_mem>>)
    %scan3A_35 = arith.constant 0 : i32
    %scan3A_36 = arith.constant 0 : i32
    %scan3A_37 = arith.constant 32 : i32
    %scan3A_38 = arith.addi %scan3A_36, %scan3A_37 : i32
    %scan3A_39 = arith.constant 1 : i32
    scf.for %scan3A_47 = %scan3A_36 to %scan3A_38 step %scan3A_39  : i32 {
      %mul3A_48 = arith.constant 2 : i32
      %mul3A_49 = arith.muli %mul3A_48, %scan3A_47 : i32
      %mul3A_50 = arith.constant 4096 : i32
      %mul3A_51 = arith.muli %mul3A_49, %mul3A_50 : i32
      %add3A_52 = arith.addi %mul3A_2, %mul3A_51 : i32
      %dma_wait3A = arith.constant 0 : i32
      %dma_wait3A_53 = arith.constant 0 : i32
      %dma_wait3A_54 = tpu.memref_slice %arg5[%dma_wait3A, %dma_wait3A_53] : memref<2x4096xf32, #tpu.memory_space<vmem>> -> memref<1x4096xf32, #tpu.memory_space<vmem>>
      %dma_wait3A_55 = tpu.memref_squeeze %dma_wait3A_54 : memref<1x4096xf32, #tpu.memory_space<vmem>> -> memref<4096xf32, #tpu.memory_space<vmem>>
      %dma_wait3A_56 = tpu.memref_slice %arg2[%add3A_52] : memref<8388608xf32, #tpu.memory_space<hbm>> -> memref<4096xf32, #tpu.memory_space<hbm>>
      %dma_wait3A_57 = arith.constant 0 : i32
      %dma_wait3A_58 = tpu.memref_slice %arg5[%dma_wait3A, %dma_wait3A_57] : memref<2x4096xf32, #tpu.memory_space<vmem>> -> memref<1x4096xf32, #tpu.memory_space<vmem>>
      %dma_wait3A_59 = tpu.memref_squeeze %dma_wait3A_58 : memref<1x4096xf32, #tpu.memory_space<vmem>> -> memref<4096xf32, #tpu.memory_space<vmem>>
      %dma_wait3A_60 = tpu.memref_slice %arg2[%add3A_52] : memref<8388608xf32, #tpu.memory_space<hbm>> -> memref<4096xf32, #tpu.memory_space<hbm>>
      tpu.wait_dma2 semaphore(%arg7 : memref<!tpu.dma_semaphore, #tpu.memory_space<semaphore_mem>>) src(%dma_wait3A_60 : memref<4096xf32, #tpu.memory_space<hbm>>) dst(%dma_wait3A_59 : memref<4096xf32, #tpu.memory_space<vmem>>)
      %parallel_loop3A = arith.constant 0 : i32
      %parallel_loop3A_61 = arith.constant 256 : i32
      %parallel_loop3A_62 = arith.constant 1 : i32
      scf.for %parallel_loop3A_91 = %parallel_loop3A to %parallel_loop3A_61 step %parallel_loop3A_62  : i32 {
        %parallel_loop3A_92 = arith.constant 16 : i32
        %parallel_loop3A_93 = arith.muli %parallel_loop3A_91, %parallel_loop3A_92 : i32
        %parallel_loop3A_94 = arith.constant 0 : i32
        %parallel_loop3A_95 = arith.index_cast %parallel_loop3A_94 : i32 to index
        %parallel_loop3A_96 = arith.index_cast %parallel_loop3A_93 : i32 to index
        %parallel_loop3A_97 = tpu.vector_load %arg5[%parallel_loop3A_95, %parallel_loop3A_96] {strides = array<i32>} : memref<2x4096xf32, #tpu.memory_space<vmem>>, vector<16xf32>,
        %parallel_loop3A_98 = arith.constant 4.096000e+03 : f32
        %parallel_loop3A_99 = vector.broadcast %parallel_loop3A_98 : f32 to vector<16xf32>
        %parallel_loop3A_100 = arith.mulf %parallel_loop3A_97, %parallel_loop3A_99 : vector<16xf32>
        %parallel_loop3A_101 = arith.fptosi %parallel_loop3A_100 : vector<16xf32> to vector<16xi32>
        %parallel_loop3A_102 = arith.addi %parallel_loop3A_101, %mul3A_8 : vector<16xi32>
        tpu.vector_store_idx %arg4[%parallel_loop3A_102], %broadcast_in_dim3A_5 {add = true} : memref<65536xf32, #tpu.memory_space<vmem>>[vector<16xi32>], vector<16xf32>,
      } {sc.loop_unroll_factor = 16 : i64, sc.parallel_access}
      %add3A_63 = arith.constant 2 : i32
      %add3A_64 = arith.addi %mul3A_49, %add3A_63 : i32
      %lt3A = arith.constant 64 : i32
      %lt3A_65 = arith.cmpi slt, %add3A_64, %lt3A : i32
      %convert_element_type3A = arith.extui %lt3A_65 : i1 to i32
      %cond3A = arith.constant 0 : i32
      %cond3A_66 = arith.cmpi ne, %convert_element_type3A, %cond3A : i32
      scf.if %cond3A_66 {
        %add3A_91 = arith.constant 2 : i32
        %add3A_92 = arith.addi %mul3A_49, %add3A_91 : i32
        %mul3A_93 = arith.constant 4096 : i32
        %mul3A_94 = arith.muli %add3A_92, %mul3A_93 : i32
        %add3A_95 = arith.addi %mul3A_2, %mul3A_94 : i32
        %dma_start3A_96 = arith.constant 0 : i32
        %dma_start3A_97 = arith.constant 0 : i32
        %dma_start3A_98 = tpu.memref_slice %arg5[%dma_start3A_96, %dma_start3A_97] : memref<2x4096xf32, #tpu.memory_space<vmem>> -> memref<1x4096xf32, #tpu.memory_space<vmem>>
        %dma_start3A_99 = tpu.memref_squeeze %dma_start3A_98 : memref<1x4096xf32, #tpu.memory_space<vmem>> -> memref<4096xf32, #tpu.memory_space<vmem>>
        %dma_start3A_100 = tpu.memref_slice %arg2[%add3A_95] : memref<8388608xf32, #tpu.memory_space<hbm>> -> memref<4096xf32, #tpu.memory_space<hbm>>
        %dma_start3A_101 = arith.constant 0 : i32
        %dma_start3A_102 = tpu.memref_slice %arg5[%dma_start3A_96, %dma_start3A_101] : memref<2x4096xf32, #tpu.memory_space<vmem>> -> memref<1x4096xf32, #tpu.memory_space<vmem>>
        %dma_start3A_103 = tpu.memref_squeeze %dma_start3A_102 : memref<1x4096xf32, #tpu.memory_space<vmem>> -> memref<4096xf32, #tpu.memory_space<vmem>>
        %dma_start3A_104 = tpu.memref_slice %arg2[%add3A_95] : memref<8388608xf32, #tpu.memory_space<hbm>> -> memref<4096xf32, #tpu.memory_space<hbm>>
        tpu.enqueue_dma source(%dma_start3A_104 : memref<4096xf32, #tpu.memory_space<hbm>>) target(%dma_start3A_103 : memref<4096xf32, #tpu.memory_space<vmem>>) target_semaphore(%arg7 : memref<!tpu.dma_semaphore, #tpu.memory_space<semaphore_mem>>)
      } else {
      }
      %add3A_67 = arith.constant 1 : i32
      %add3A_68 = arith.addi %mul3A_49, %add3A_67 : i32
      %mul3A_69 = arith.constant 4096 : i32
      %mul3A_70 = arith.muli %add3A_68, %mul3A_69 : i32
      %add3A_71 = arith.addi %mul3A_2, %mul3A_70 : i32
      %dma_wait3A_72 = arith.constant 1 : i32
      %dma_wait3A_73 = arith.constant 0 : i32
      %dma_wait3A_74 = tpu.memref_slice %arg5[%dma_wait3A_72, %dma_wait3A_73] : memref<2x4096xf32, #tpu.memory_space<vmem>> -> memref<1x4096xf32, #tpu.memory_space<vmem>>
      %dma_wait3A_75 = tpu.memref_squeeze %dma_wait3A_74 : memref<1x4096xf32, #tpu.memory_space<vmem>> -> memref<4096xf32, #tpu.memory_space<vmem>>
      %dma_wait3A_76 = tpu.memref_slice %arg2[%add3A_71] : memref<8388608xf32, #tpu.memory_space<hbm>> -> memref<4096xf32, #tpu.memory_space<hbm>>
      %dma_wait3A_77 = arith.constant 0 : i32
      %dma_wait3A_78 = tpu.memref_slice %arg5[%dma_wait3A_72, %dma_wait3A_77] : memref<2x4096xf32, #tpu.memory_space<vmem>> -> memref<1x4096xf32, #tpu.memory_space<vmem>>
      %dma_wait3A_79 = tpu.memref_squeeze %dma_wait3A_78 : memref<1x4096xf32, #tpu.memory_space<vmem>> -> memref<4096xf32, #tpu.memory_space<vmem>>
      %dma_wait3A_80 = tpu.memref_slice %arg2[%add3A_71] : memref<8388608xf32, #tpu.memory_space<hbm>> -> memref<4096xf32, #tpu.memory_space<hbm>>
      tpu.wait_dma2 semaphore(%arg8 : memref<!tpu.dma_semaphore, #tpu.memory_space<semaphore_mem>>) src(%dma_wait3A_80 : memref<4096xf32, #tpu.memory_space<hbm>>) dst(%dma_wait3A_79 : memref<4096xf32, #tpu.memory_space<vmem>>)
      %parallel_loop3A_81 = arith.constant 0 : i32
      %parallel_loop3A_82 = arith.constant 256 : i32
      %parallel_loop3A_83 = arith.constant 1 : i32
      scf.for %parallel_loop3A_91 = %parallel_loop3A_81 to %parallel_loop3A_82 step %parallel_loop3A_83  : i32 {
        %parallel_loop3A_92 = arith.constant 16 : i32
        %parallel_loop3A_93 = arith.muli %parallel_loop3A_91, %parallel_loop3A_92 : i32
        %parallel_loop3A_94 = arith.constant 1 : i32
        %parallel_loop3A_95 = arith.index_cast %parallel_loop3A_94 : i32 to index
        %parallel_loop3A_96 = arith.index_cast %parallel_loop3A_93 : i32 to index
        %parallel_loop3A_97 = tpu.vector_load %arg5[%parallel_loop3A_95, %parallel_loop3A_96] {strides = array<i32>} : memref<2x4096xf32, #tpu.memory_space<vmem>>, vector<16xf32>,
        %parallel_loop3A_98 = arith.constant 4.096000e+03 : f32
        %parallel_loop3A_99 = vector.broadcast %parallel_loop3A_98 : f32 to vector<16xf32>
        %parallel_loop3A_100 = arith.mulf %parallel_loop3A_97, %parallel_loop3A_99 : vector<16xf32>
        %parallel_loop3A_101 = arith.fptosi %parallel_loop3A_100 : vector<16xf32> to vector<16xi32>
        %parallel_loop3A_102 = arith.addi %parallel_loop3A_101, %mul3A_8 : vector<16xi32>
        tpu.vector_store_idx %arg4[%parallel_loop3A_102], %broadcast_in_dim3A_5 {add = true} : memref<65536xf32, #tpu.memory_space<vmem>>[vector<16xi32>], vector<16xf32>,
      } {sc.loop_unroll_factor = 16 : i64, sc.parallel_access}
      %add3A_84 = arith.constant 3 : i32
      %add3A_85 = arith.addi %mul3A_49, %add3A_84 : i32
      %lt3A_86 = arith.constant 64 : i32
      %lt3A_87 = arith.cmpi slt, %add3A_85, %lt3A_86 : i32
      %convert_element_type3A_88 = arith.extui %lt3A_87 : i1 to i32
      %cond3A_89 = arith.constant 0 : i32
      %cond3A_90 = arith.cmpi ne, %convert_element_type3A_88, %cond3A_89 : i32
      scf.if %cond3A_90 {
        %add3A_91 = arith.constant 3 : i32
        %add3A_92 = arith.addi %mul3A_49, %add3A_91 : i32
        %mul3A_93 = arith.constant 4096 : i32
        %mul3A_94 = arith.muli %add3A_92, %mul3A_93 : i32
        %add3A_95 = arith.addi %mul3A_2, %mul3A_94 : i32
        %dma_start3A_96 = arith.constant 1 : i32
        %dma_start3A_97 = arith.constant 0 : i32
        %dma_start3A_98 = tpu.memref_slice %arg5[%dma_start3A_96, %dma_start3A_97] : memref<2x4096xf32, #tpu.memory_space<vmem>> -> memref<1x4096xf32, #tpu.memory_space<vmem>>
        %dma_start3A_99 = tpu.memref_squeeze %dma_start3A_98 : memref<1x4096xf32, #tpu.memory_space<vmem>> -> memref<4096xf32, #tpu.memory_space<vmem>>
        %dma_start3A_100 = tpu.memref_slice %arg2[%add3A_95] : memref<8388608xf32, #tpu.memory_space<hbm>> -> memref<4096xf32, #tpu.memory_space<hbm>>
        %dma_start3A_101 = arith.constant 0 : i32
        %dma_start3A_102 = tpu.memref_slice %arg5[%dma_start3A_96, %dma_start3A_101] : memref<2x4096xf32, #tpu.memory_space<vmem>> -> memref<1x4096xf32, #tpu.memory_space<vmem>>
        %dma_start3A_103 = tpu.memref_squeeze %dma_start3A_102 : memref<1x4096xf32, #tpu.memory_space<vmem>> -> memref<4096xf32, #tpu.memory_space<vmem>>
        %dma_start3A_104 = tpu.memref_slice %arg2[%add3A_95] : memref<8388608xf32, #tpu.memory_space<hbm>> -> memref<4096xf32, #tpu.memory_space<hbm>>
        tpu.enqueue_dma source(%dma_start3A_104 : memref<4096xf32, #tpu.memory_space<hbm>>) target(%dma_start3A_103 : memref<4096xf32, #tpu.memory_space<vmem>>) target_semaphore(%arg8 : memref<!tpu.dma_semaphore, #tpu.memory_space<semaphore_mem>>)
      } else {
      }
    }
    %scan3A_40 = arith.constant 32 : i32
    %scan3A_41 = arith.constant 0 : i32
    %scan3A_42 = arith.constant 0 : i32
    %scan3A_43 = arith.constant 256 : i32
    %scan3A_44 = arith.addi %scan3A_42, %scan3A_43 : i32
    %scan3A_45 = arith.constant 1 : i32
    scf.for %scan3A_47 = %scan3A_42 to %scan3A_44 step %scan3A_45  : i32 {
      %mul3A_48 = arith.constant 16 : i32
      %mul3A_49 = arith.muli %scan3A_47, %mul3A_48 : i32
      %get3A = arith.index_cast %mul3A_49 : i32 to index
      %get3A_50 = tpu.vector_load %arg4[%get3A] {strides = array<i32>} : memref<65536xf32, #tpu.memory_space<vmem>>, vector<16xf32>,
      %mul3A_51 = arith.constant 16 : i32
      %mul3A_52 = arith.muli %scan3A_47, %mul3A_51 : i32
      %add3A_53 = arith.constant 4096 : i32
      %add3A_54 = arith.addi %add3A_53, %mul3A_52 : i32
      %get3A_55 = arith.index_cast %add3A_54 : i32 to index
      %get3A_56 = tpu.vector_load %arg4[%get3A_55] {strides = array<i32>} : memref<65536xf32, #tpu.memory_space<vmem>>, vector<16xf32>,
      %add3A_57 = arith.addf %get3A_50, %get3A_56 : vector<16xf32>
      %mul3A_58 = arith.constant 16 : i32
      %mul3A_59 = arith.muli %scan3A_47, %mul3A_58 : i32
      %add3A_60 = arith.constant 8192 : i32
      %add3A_61 = arith.addi %add3A_60, %mul3A_59 : i32
      %get3A_62 = arith.index_cast %add3A_61 : i32 to index
      %get3A_63 = tpu.vector_load %arg4[%get3A_62] {strides = array<i32>} : memref<65536xf32, #tpu.memory_space<vmem>>, vector<16xf32>,
      %add3A_64 = arith.addf %add3A_57, %get3A_63 : vector<16xf32>
      %mul3A_65 = arith.constant 16 : i32
      %mul3A_66 = arith.muli %scan3A_47, %mul3A_65 : i32
      %add3A_67 = arith.constant 12288 : i32
      %add3A_68 = arith.addi %add3A_67, %mul3A_66 : i32
      %get3A_69 = arith.index_cast %add3A_68 : i32 to index
      %get3A_70 = tpu.vector_load %arg4[%get3A_69] {strides = array<i32>} : memref<65536xf32, #tpu.memory_space<vmem>>, vector<16xf32>,
      %add3A_71 = arith.addf %add3A_64, %get3A_70 : vector<16xf32>
      %mul3A_72 = arith.constant 16 : i32
      %mul3A_73 = arith.muli %scan3A_47, %mul3A_72 : i32
      %add3A_74 = arith.constant 16384 : i32
      %add3A_75 = arith.addi %add3A_74, %mul3A_73 : i32
      %get3A_76 = arith.index_cast %add3A_75 : i32 to index
      %get3A_77 = tpu.vector_load %arg4[%get3A_76] {strides = array<i32>} : memref<65536xf32, #tpu.memory_space<vmem>>, vector<16xf32>,
      %add3A_78 = arith.addf %add3A_71, %get3A_77 : vector<16xf32>
      %mul3A_79 = arith.constant 16 : i32
      %mul3A_80 = arith.muli %scan3A_47, %mul3A_79 : i32
      %add3A_81 = arith.constant 20480 : i32
      %add3A_82 = arith.addi %add3A_81, %mul3A_80 : i32
      %get3A_83 = arith.index_cast %add3A_82 : i32 to index
      %get3A_84 = tpu.vector_load %arg4[%get3A_83] {strides = array<i32>} : memref<65536xf32, #tpu.memory_space<vmem>>, vector<16xf32>,
      %add3A_85 = arith.addf %add3A_78, %get3A_84 : vector<16xf32>
      %mul3A_86 = arith.constant 16 : i32
      %mul3A_87 = arith.muli %scan3A_47, %mul3A_86 : i32
      %add3A_88 = arith.constant 24576 : i32
      %add3A_89 = arith.addi %add3A_88, %mul3A_87 : i32
      %get3A_90 = arith.index_cast %add3A_89 : i32 to index
      %get3A_91 = tpu.vector_load %arg4[%get3A_90] {strides = array<i32>} : memref<65536xf32, #tpu.memory_space<vmem>>, vector<16xf32>,
      %add3A_92 = arith.addf %add3A_85, %get3A_91 : vector<16xf32>
      %mul3A_93 = arith.constant 16 : i32
      %mul3A_94 = arith.muli %scan3A_47, %mul3A_93 : i32
      %add3A_95 = arith.constant 28672 : i32
      %add3A_96 = arith.addi %add3A_95, %mul3A_94 : i32
      %get3A_97 = arith.index_cast %add3A_96 : i32 to index
      %get3A_98 = tpu.vector_load %arg4[%get3A_97] {strides = array<i32>} : memref<65536xf32, #tpu.memory_space<vmem>>, vector<16xf32>,
      %add3A_99 = arith.addf %add3A_92, %get3A_98 : vector<16xf32>
      %mul3A_100 = arith.constant 16 : i32
      %mul3A_101 = arith.muli %scan3A_47, %mul3A_100 : i32
      %add3A_102 = arith.constant 32768 : i32
      %add3A_103 = arith.addi %add3A_102, %mul3A_101 : i32
      %get3A_104 = arith.index_cast %add3A_103 : i32 to index
      %get3A_105 = tpu.vector_load %arg4[%get3A_104] {strides = array<i32>} : memref<65536xf32, #tpu.memory_space<vmem>>, vector<16xf32>,
      %add3A_106 = arith.addf %add3A_99, %get3A_105 : vector<16xf32>
      %mul3A_107 = arith.constant 16 : i32
      %mul3A_108 = arith.muli %scan3A_47, %mul3A_107 : i32
      %add3A_109 = arith.constant 36864 : i32
      %add3A_110 = arith.addi %add3A_109, %mul3A_108 : i32
      %get3A_111 = arith.index_cast %add3A_110 : i32 to index
      %get3A_112 = tpu.vector_load %arg4[%get3A_111] {strides = array<i32>} : memref<65536xf32, #tpu.memory_space<vmem>>, vector<16xf32>,
      %add3A_113 = arith.addf %add3A_106, %get3A_112 : vector<16xf32>
      %mul3A_114 = arith.constant 16 : i32
      %mul3A_115 = arith.muli %scan3A_47, %mul3A_114 : i32
      %add3A_116 = arith.constant 40960 : i32
      %add3A_117 = arith.addi %add3A_116, %mul3A_115 : i32
      %get3A_118 = arith.index_cast %add3A_117 : i32 to index
      %get3A_119 = tpu.vector_load %arg4[%get3A_118] {strides = array<i32>} : memref<65536xf32, #tpu.memory_space<vmem>>, vector<16xf32>,
      %add3A_120 = arith.addf %add3A_113, %get3A_119 : vector<16xf32>
      %mul3A_121 = arith.constant 16 : i32
      %mul3A_122 = arith.muli %scan3A_47, %mul3A_121 : i32
      %add3A_123 = arith.constant 45056 : i32
      %add3A_124 = arith.addi %add3A_123, %mul3A_122 : i32
      %get3A_125 = arith.index_cast %add3A_124 : i32 to index
      %get3A_126 = tpu.vector_load %arg4[%get3A_125] {strides = array<i32>} : memref<65536xf32, #tpu.memory_space<vmem>>, vector<16xf32>,
      %add3A_127 = arith.addf %add3A_120, %get3A_126 : vector<16xf32>
      %mul3A_128 = arith.constant 16 : i32
      %mul3A_129 = arith.muli %scan3A_47, %mul3A_128 : i32
      %add3A_130 = arith.constant 49152 : i32
      %add3A_131 = arith.addi %add3A_130, %mul3A_129 : i32
      %get3A_132 = arith.index_cast %add3A_131 : i32 to index
      %get3A_133 = tpu.vector_load %arg4[%get3A_132] {strides = array<i32>} : memref<65536xf32, #tpu.memory_space<vmem>>, vector<16xf32>,
      %add3A_134 = arith.addf %add3A_127, %get3A_133 : vector<16xf32>
      %mul3A_135 = arith.constant 16 : i32
      %mul3A_136 = arith.muli %scan3A_47, %mul3A_135 : i32
      %add3A_137 = arith.constant 53248 : i32
      %add3A_138 = arith.addi %add3A_137, %mul3A_136 : i32
      %get3A_139 = arith.index_cast %add3A_138 : i32 to index
      %get3A_140 = tpu.vector_load %arg4[%get3A_139] {strides = array<i32>} : memref<65536xf32, #tpu.memory_space<vmem>>, vector<16xf32>,
      %add3A_141 = arith.addf %add3A_134, %get3A_140 : vector<16xf32>
      %mul3A_142 = arith.constant 16 : i32
      %mul3A_143 = arith.muli %scan3A_47, %mul3A_142 : i32
      %add3A_144 = arith.constant 57344 : i32
      %add3A_145 = arith.addi %add3A_144, %mul3A_143 : i32
      %get3A_146 = arith.index_cast %add3A_145 : i32 to index
      %get3A_147 = tpu.vector_load %arg4[%get3A_146] {strides = array<i32>} : memref<65536xf32, #tpu.memory_space<vmem>>, vector<16xf32>,
      %add3A_148 = arith.addf %add3A_141, %get3A_147 : vector<16xf32>
      %mul3A_149 = arith.constant 16 : i32
      %mul3A_150 = arith.muli %scan3A_47, %mul3A_149 : i32
      %add3A_151 = arith.constant 61440 : i32
      %add3A_152 = arith.addi %add3A_151, %mul3A_150 : i32
      %get3A_153 = arith.index_cast %add3A_152 : i32 to index
      %get3A_154 = tpu.vector_load %arg4[%get3A_153] {strides = array<i32>} : memref<65536xf32, #tpu.memory_space<vmem>>, vector<16xf32>,
      %add3A_155 = arith.addf %add3A_148, %get3A_154 : vector<16xf32>
      %mul3A_156 = arith.constant 16 : i32
      %mul3A_157 = arith.muli %scan3A_47, %mul3A_156 : i32
      %swap3A = arith.index_cast %mul3A_157 : i32 to index
      %swap3A_158 = tpu.vector_load %arg6[%swap3A] {strides = array<i32>} : memref<4096xf32, #tpu.memory_space<vmem>>, vector<16xf32>,
      tpu.vector_store %arg6[%swap3A], %add3A_155 {strides = array<i32>} : memref<4096xf32, #tpu.memory_space<vmem>>, vector<16xf32>,
    }
    %scan3A_46 = arith.constant 256 : i32
    "tpu.region"() ({
      %run_scoped3A = tpu.sem_alloc : memref<!tpu.dma_semaphore, #tpu.memory_space<semaphore_mem>>
      %dma_start3A_47 = arith.constant 0 : i32
      %dma_start3A_48 = tpu.memref_slice %arg3[%add3A, %dma_start3A_47] : memref<32x4096xf32, #tpu.memory_space<hbm>> -> memref<1x4096xf32, #tpu.memory_space<hbm>>
      %dma_start3A_49 = tpu.memref_squeeze %dma_start3A_48 : memref<1x4096xf32, #tpu.memory_space<hbm>> -> memref<4096xf32, #tpu.memory_space<hbm>>
      %dma_start3A_50 = arith.constant 0 : i32
      %dma_start3A_51 = tpu.memref_slice %arg3[%add3A, %dma_start3A_50] : memref<32x4096xf32, #tpu.memory_space<hbm>> -> memref<1x4096xf32, #tpu.memory_space<hbm>>
      %dma_start3A_52 = tpu.memref_squeeze %dma_start3A_51 : memref<1x4096xf32, #tpu.memory_space<hbm>> -> memref<4096xf32, #tpu.memory_space<hbm>>
      tpu.enqueue_dma source(%arg6 : memref<4096xf32, #tpu.memory_space<vmem>>) target(%dma_start3A_52 : memref<4096xf32, #tpu.memory_space<hbm>>) target_semaphore(%run_scoped3A : memref<!tpu.dma_semaphore, #tpu.memory_space<semaphore_mem>>)
      %dma_wait3A = arith.constant 0 : i32
      %dma_wait3A_53 = tpu.memref_slice %arg3[%add3A, %dma_wait3A] : memref<32x4096xf32, #tpu.memory_space<hbm>> -> memref<1x4096xf32, #tpu.memory_space<hbm>>
      %dma_wait3A_54 = tpu.memref_squeeze %dma_wait3A_53 : memref<1x4096xf32, #tpu.memory_space<hbm>> -> memref<4096xf32, #tpu.memory_space<hbm>>
      %dma_wait3A_55 = arith.constant 0 : i32
      %dma_wait3A_56 = tpu.memref_slice %arg3[%add3A, %dma_wait3A_55] : memref<32x4096xf32, #tpu.memory_space<hbm>> -> memref<1x4096xf32, #tpu.memory_space<hbm>>
      %dma_wait3A_57 = tpu.memref_squeeze %dma_wait3A_56 : memref<1x4096xf32, #tpu.memory_space<hbm>> -> memref<4096xf32, #tpu.memory_space<hbm>>
      tpu.wait_dma2 semaphore(%run_scoped3A : memref<!tpu.dma_semaphore, #tpu.memory_space<semaphore_mem>>) src(%arg6 : memref<4096xf32, #tpu.memory_space<vmem>>) dst(%dma_wait3A_57 : memref<4096xf32, #tpu.memory_space<hbm>>)
      tpu.yield
    }) : () -> ()
    return
  }
}

module attributes {stable_mosaic.version = 14 : i64} {
  func.func @_tc_body(%arg0: i32, %arg1: memref<32x32x128xf32, #tpu.memory_space<vmem>>, %arg2: memref<256x1024xf32, #tpu.memory_space<vmem>>, %arg3: memref<256x1024xf32, #tpu.memory_space<vmem>>, %arg4: memref<256x1024xf32, #tpu.memory_space<vmem>>, %arg5: memref<1x1xf32, #tpu.memory_space<vmem>>, %arg6: memref<8xf32, #tpu.memory_space<smem>>) attributes {dimension_semantics = [#tpu.dimension_semantics<arbitrary>], iteration_bounds = array<i64: 32>, scalar_prefetch = 0 : i64, scratch_operands = 1 : i64, tpu.core_type = #tpu.core_type<tc>, window_params = [{pipeline_mode = #tpu.pipeline_mode<synchronous>, transform_indices = @transform_0, window_bounds = array<i64: 32, 32, 128>}, {transform_indices = @transform_1, window_bounds = array<i64: 256, 1024>}, {transform_indices = @transform_2, window_bounds = array<i64: 256, 1024>}, {transform_indices = @transform_3, window_bounds = array<i64: 256, 1024>}, {pipeline_mode = #tpu.pipeline_mode<synchronous>, transform_indices = @transform_4, window_bounds = array<i64: 1, 1>}]} {
    %eq3A = arith.constant 0 : i32
    %eq3A_0 = arith.cmpi eq, %arg0, %eq3A : i32
    %convert_element_type3A = arith.extui %eq3A_0 : i1 to i32
    %cond3A = arith.constant 0 : i32
    %cond3A_1 = arith.cmpi ne, %convert_element_type3A, %cond3A : i32
    scf.if %cond3A_1 {
      %get3A_79 = arith.constant 0 : index
      %get3A_80 = arith.constant 0 : index
      %get3A_81 = arith.constant 0 : index
      %get3A_82 = vector.load %arg1[%get3A_79, %get3A_80, %get3A_81] : memref<32x32x128xf32, #tpu.memory_space<vmem>>, vector<32x32x128xf32>
      %reduce_sum3A_83 = arith.constant dense<0.000000e+00> : vector<32x128xf32>
      %reduce_sum3A_84 = vector.multi_reduction <add>, %get3A_82, %reduce_sum3A_83 [0] : vector<32x32x128xf32> to vector<32x128xf32>
      %iota3A = tpu.iota {dimensions = array<i32: 0>} : vector<32x128xi32>
      %iota3A_85 = tpu.iota {dimensions = array<i32: 1>} : vector<32x128xi32>
      %mul3A_86 = arith.constant 128 : i32
      %mul3A_87 = vector.broadcast %mul3A_86 : i32 to vector<32x128xi32>
      %mul3A_88 = arith.muli %iota3A, %mul3A_87 : vector<32x128xi32>
      %add3A_89 = arith.addi %mul3A_88, %iota3A_85 : vector<32x128xi32>
      %reduce_sum3A_90 = arith.constant dense<0.000000e+00> : vector<32xf32>
      %reduce_sum3A_91 = vector.multi_reduction <add>, %reduce_sum3A_84, %reduce_sum3A_90 [1] : vector<32x128xf32> to vector<32xf32>
      %broadcast_in_dim3A_92 = vector.shape_cast %reduce_sum3A_91 : vector<32xf32> to vector<32x1xf32>
      %iota3A_93 = tpu.iota {dimensions = array<i32: 0>} : vector<32x32xi32>
      %iota3A_94 = tpu.iota {dimensions = array<i32: 1>} : vector<32x32xi32>
      %gt3A_95 = arith.cmpi sgt, %iota3A_94, %iota3A_93 : vector<32x32xi32>
      %convert_element_type3A_96 = arith.extui %gt3A_95 : vector<32x32xi1> to vector<32x32xi32>
      %convert_element_type3A_97 = arith.sitofp %convert_element_type3A_96 : vector<32x32xi32> to vector<32x32xf32>
      %dot_general3A = arith.constant dense<0.000000e+00> : vector<32x1xf32>
      %dot_general3A_98 = tpu.matmul %convert_element_type3A_97, %broadcast_in_dim3A_92, %dot_general3A {dimension_numbers = #tpu.dot_dimension_numbers<[1], [0], [0], [1], [0, 0, 1, 1], [], []>, transpose_lhs_hint = false} : vector<32x32xf32>, vector<32x1xf32>, vector<32x1xf32> -> vector<32x1xf32>
      %iota3A_99 = tpu.iota {dimensions = array<i32: 0>} : vector<128x128xi32>
      %iota3A_100 = tpu.iota {dimensions = array<i32: 1>} : vector<128x128xi32>
      %ge3A = arith.cmpi sge, %iota3A_99, %iota3A_100 : vector<128x128xi32>
      %convert_element_type3A_101 = arith.extui %ge3A : vector<128x128xi1> to vector<128x128xi32>
      %convert_element_type3A_102 = arith.sitofp %convert_element_type3A_101 : vector<128x128xi32> to vector<128x128xf32>
      %dot_general3A_103 = arith.constant dense<0.000000e+00> : vector<32x128xf32>
      %dot_general3A_104 = tpu.matmul %reduce_sum3A_84, %convert_element_type3A_102, %dot_general3A_103 {dimension_numbers = #tpu.dot_dimension_numbers<[1], [0], [0], [1], [0, 0, 1, 1], [], []>, transpose_lhs_hint = false} : vector<32x128xf32>, vector<128x128xf32>, vector<32x128xf32> -> vector<32x128xf32>
      %add3A_105 = vector.broadcast %dot_general3A_98 : vector<32x1xf32> to vector<32x128xf32>
      %add3A_106 = arith.addf %dot_general3A_104, %add3A_105 : vector<32x128xf32>
      %ge3A_107 = arith.constant 8.388600e+04 : f32
      %ge3A_108 = vector.broadcast %ge3A_107 : f32 to vector<32x128xf32>
      %ge3A_109 = arith.cmpf oge, %add3A_106, %ge3A_108 : vector<32x128xf32>
      %jit3A_110 = arith.constant -1 : i32
      %broadcast_in_dim3A_111 = vector.broadcast %jit3A_110 : i32 to vector<32x128xi32>
      %select_n3A_112 = arith.select %ge3A_109, %add3A_89, %broadcast_in_dim3A_111 : vector<32x128xi1>, vector<32x128xi32>
      %reduce_max3A = vector.shape_cast %select_n3A_112 : vector<32x128xi32> to vector<1x32x128xi32>
      %reduce_max3A_113 = arith.constant dense<-2147483648> : vector<1xi32>
      %reduce_max3A_114 = vector.multi_reduction <maxsi>, %reduce_max3A, %reduce_max3A_113 [1, 2] : vector<1x32x128xi32> to vector<1xi32>
      %reduce_max3A_115 = vector.shape_cast %reduce_max3A_114 : vector<1xi32> to vector<1x1x1xi32>
      %reduce_max3A_116 = vector.extract %reduce_max3A_115[0, 0, 0] : i32 from vector<1x1x1xi32>
      %gt3A_117 = vector.broadcast %reduce_max3A_116 : i32 to vector<32x128xi32>
      %gt3A_118 = arith.cmpi sgt, %add3A_89, %gt3A_117 : vector<32x128xi32>
      %jit3A_119 = arith.constant 0.000000e+00 : f32
      %broadcast_in_dim3A_120 = vector.broadcast %jit3A_119 : f32 to vector<32x128xf32>
      %select_n3A_121 = arith.select %gt3A_118, %reduce_sum3A_84, %broadcast_in_dim3A_120 : vector<32x128xi1>, vector<32x128xf32>
      %reduce_sum3A_122 = vector.shape_cast %select_n3A_121 : vector<32x128xf32> to vector<1x32x128xf32>
      %reduce_sum3A_123 = arith.constant dense<0.000000e+00> : vector<1xf32>
      %reduce_sum3A_124 = vector.multi_reduction <add>, %reduce_sum3A_122, %reduce_sum3A_123 [1, 2] : vector<1x32x128xf32> to vector<1xf32>
      %reduce_sum3A_125 = vector.shape_cast %reduce_sum3A_124 : vector<1xf32> to vector<1x1x1xf32>
      %reduce_sum3A_126 = vector.extract %reduce_sum3A_125[0, 0, 0] : f32 from vector<1x1x1xf32>
      %eq3A_127 = vector.broadcast %reduce_max3A_116 : i32 to vector<32x128xi32>
      %eq3A_128 = arith.cmpi eq, %add3A_89, %eq3A_127 : vector<32x128xi32>
      %jit3A_129 = arith.constant 0.000000e+00 : f32
      %broadcast_in_dim3A_130 = vector.broadcast %jit3A_129 : f32 to vector<32x128xf32>
      %select_n3A_131 = arith.select %eq3A_128, %reduce_sum3A_84, %broadcast_in_dim3A_130 : vector<32x128xi1>, vector<32x128xf32>
      %reduce_sum3A_132 = vector.shape_cast %select_n3A_131 : vector<32x128xf32> to vector<1x32x128xf32>
      %reduce_sum3A_133 = arith.constant dense<0.000000e+00> : vector<1xf32>
      %reduce_sum3A_134 = vector.multi_reduction <add>, %reduce_sum3A_132, %reduce_sum3A_133 [1, 2] : vector<1x32x128xf32> to vector<1xf32>
      %reduce_sum3A_135 = vector.shape_cast %reduce_sum3A_134 : vector<1xf32> to vector<1x1x1xf32>
      %reduce_sum3A_136 = vector.extract %reduce_sum3A_135[0, 0, 0] : f32 from vector<1x1x1xf32>
      %sub3A_137 = arith.constant 8.388600e+04 : f32
      %sub3A_138 = arith.subf %sub3A_137, %reduce_sum3A_126 : f32
      %div3A = arith.divf %sub3A_138, %reduce_sum3A_136 : f32
      %swap3A_139 = arith.constant 0.000000e+00 : f32
      %swap3A_140 = arith.constant 0 : index
      %swap3A_141 = memref.load %arg6[%swap3A_140] : memref<8xf32, #tpu.memory_space<smem>>
      memref.store %swap3A_139, %arg6[%swap3A_140] : memref<8xf32, #tpu.memory_space<smem>>
      %convert_element_type3A_142 = arith.sitofp %reduce_max3A_116 : i32 to f32
      %swap3A_143 = arith.constant 4 : index
      %swap3A_144 = memref.load %arg6[%swap3A_143] : memref<8xf32, #tpu.memory_space<smem>>
      memref.store %convert_element_type3A_142, %arg6[%swap3A_143] : memref<8xf32, #tpu.memory_space<smem>>
      %swap3A_145 = arith.constant 5 : index
      %swap3A_146 = memref.load %arg6[%swap3A_145] : memref<8xf32, #tpu.memory_space<smem>>
      memref.store %div3A, %arg6[%swap3A_145] : memref<8xf32, #tpu.memory_space<smem>>
    } else {
    }
    %get3A = arith.constant 0 : index
    %get3A_2 = arith.constant 0 : index
    %get3A_3 = vector.load %arg2[%get3A, %get3A_2] : memref<256x1024xf32, #tpu.memory_space<vmem>>, vector<256x1024xf32>
    %get3A_4 = arith.constant 0 : index
    %get3A_5 = arith.constant 0 : index
    %get3A_6 = vector.load %arg3[%get3A_4, %get3A_5] : memref<256x1024xf32, #tpu.memory_space<vmem>>, vector<256x1024xf32>
    %get3A_7 = arith.constant 0 : index
    %get3A_8 = arith.constant 0 : index
    %get3A_9 = vector.load %arg4[%get3A_7, %get3A_8] : memref<256x1024xf32, #tpu.memory_space<vmem>>, vector<256x1024xf32>
    %log3A = math.log %get3A_3 : vector<256x1024xf32>
    %sub3A = arith.constant 1.000000e+00 : f32
    %sub3A_10 = vector.broadcast %sub3A : f32 to vector<256x1024xf32>
    %sub3A_11 = arith.subf %sub3A_10, %get3A_3 : vector<256x1024xf32>
    %log3A_12 = math.log %sub3A_11 : vector<256x1024xf32>
    %mul3A = arith.mulf %get3A_9, %log3A : vector<256x1024xf32>
    %mul3A_13 = arith.mulf %get3A_9, %log3A_12 : vector<256x1024xf32>
    %sub3A_14 = arith.subf %mul3A, %mul3A_13 : vector<256x1024xf32>
    %mul3A_15 = arith.constant -0.899999976 : f32
    %mul3A_16 = vector.broadcast %mul3A_15 : f32 to vector<256x1024xf32>
    %mul3A_17 = arith.mulf %mul3A_16, %sub3A_14 : vector<256x1024xf32>
    %mul3A_18 = arith.constant 5.000000e-02 : f32
    %mul3A_19 = vector.broadcast %mul3A_18 : f32 to vector<256x1024xf32>
    %mul3A_20 = arith.mulf %mul3A_19, %log3A : vector<256x1024xf32>
    %sub3A_21 = arith.subf %mul3A_17, %mul3A_20 : vector<256x1024xf32>
    %mul3A_22 = arith.constant 0.949999988 : f32
    %mul3A_23 = vector.broadcast %mul3A_22 : f32 to vector<256x1024xf32>
    %mul3A_24 = arith.mulf %mul3A_23, %log3A_12 : vector<256x1024xf32>
    %sub3A_25 = arith.subf %sub3A_21, %mul3A_24 : vector<256x1024xf32>
    %sub3A_26 = arith.subf %get3A_3, %get3A_9 : vector<256x1024xf32>
    %abs3A = math.absf %sub3A_26 : vector<256x1024xf32>
    %sub3A_27 = arith.constant 1.000000e+00 : f32
    %sub3A_28 = vector.broadcast %sub3A_27 : f32 to vector<256x1024xf32>
    %sub3A_29 = arith.subf %sub3A_28, %abs3A : vector<256x1024xf32>
    %sub3A_30 = arith.subf %get3A_6, %sub3A_29 : vector<256x1024xf32>
    %abs3A_31 = math.absf %sub3A_30 : vector<256x1024xf32>
    %eq3A_32 = arith.constant 0.000000e+00 : f32
    %eq3A_33 = vector.broadcast %eq3A_32 : f32 to vector<256x1024xf32>
    %eq3A_34 = arith.cmpf oeq, %get3A_9, %eq3A_33 : vector<256x1024xf32>
    %jit3A = arith.constant 3.000000e+00 : f32
    %jit3A_35 = arith.constant 1.000000e+00 : f32
    %broadcast_in_dim3A = vector.broadcast %jit3A : f32 to vector<256x1024xf32>
    %broadcast_in_dim3A_36 = vector.broadcast %jit3A_35 : f32 to vector<256x1024xf32>
    %select_n3A = arith.select %eq3A_34, %broadcast_in_dim3A, %broadcast_in_dim3A_36 : vector<256x1024xi1>, vector<256x1024xf32>
    %neg3A = arith.constant 0.000000e+00 : f32
    %neg3A_37 = vector.broadcast %neg3A : f32 to vector<256x1024xf32>
    %neg3A_38 = arith.subf %neg3A_37, %sub3A_14 : vector<256x1024xf32>
    %sub3A_39 = arith.subf %neg3A_38, %log3A_12 : vector<256x1024xf32>
    %mul3A_40 = arith.mulf %select_n3A, %sub3A_39 : vector<256x1024xf32>
    %mul3A_41 = arith.constant 4.096000e+03 : f32
    %mul3A_42 = vector.broadcast %mul3A_41 : f32 to vector<256x1024xf32>
    %mul3A_43 = arith.mulf %get3A_3, %mul3A_42 : vector<256x1024xf32>
    %floor3A = math.floor %mul3A_43 : vector<256x1024xf32>
    %get3A_44 = arith.constant 4 : index
    %get3A_45 = memref.load %arg6[%get3A_44] : memref<8xf32, #tpu.memory_space<smem>>
    %gt3A = vector.broadcast %get3A_45 : f32 to vector<256x1024xf32>
    %gt3A_46 = arith.cmpf ogt, %floor3A, %gt3A : vector<256x1024xf32>
    %eq3A_47 = vector.broadcast %get3A_45 : f32 to vector<256x1024xf32>
    %eq3A_48 = arith.cmpf oeq, %floor3A, %eq3A_47 : vector<256x1024xf32>
    %get3A_49 = arith.constant 5 : index
    %get3A_50 = memref.load %arg6[%get3A_49] : memref<8xf32, #tpu.memory_space<smem>>
    %jit3A_51 = arith.constant 0.000000e+00 : f32
    %broadcast_in_dim3A_52 = vector.broadcast %get3A_50 : f32 to vector<256x1024xf32>
    %broadcast_in_dim3A_53 = vector.broadcast %jit3A_51 : f32 to vector<256x1024xf32>
    %select_n3A_54 = arith.select %eq3A_48, %broadcast_in_dim3A_52, %broadcast_in_dim3A_53 : vector<256x1024xi1>, vector<256x1024xf32>
    %jit3A_55 = arith.constant 1.000000e+00 : f32
    %broadcast_in_dim3A_56 = vector.broadcast %jit3A_55 : f32 to vector<256x1024xf32>
    %select_n3A_57 = arith.select %gt3A_46, %broadcast_in_dim3A_56, %select_n3A_54 : vector<256x1024xi1>, vector<256x1024xf32>
    %get3A_58 = arith.constant 0 : index
    %get3A_59 = memref.load %arg6[%get3A_58] : memref<8xf32, #tpu.memory_space<smem>>
    %mul3A_60 = arith.constant 2.000000e-01 : f32
    %mul3A_61 = vector.broadcast %mul3A_60 : f32 to vector<256x1024xf32>
    %mul3A_62 = arith.mulf %mul3A_61, %abs3A_31 : vector<256x1024xf32>
    %add3A = arith.addf %sub3A_25, %mul3A_62 : vector<256x1024xf32>
    %mul3A_63 = arith.constant 100.000099 : f32
    %mul3A_64 = vector.broadcast %mul3A_63 : f32 to vector<256x1024xf32>
    %mul3A_65 = arith.mulf %mul3A_64, %select_n3A_57 : vector<256x1024xf32>
    %mul3A_66 = arith.mulf %mul3A_65, %mul3A_40 : vector<256x1024xf32>
    %add3A_67 = arith.addf %add3A, %mul3A_66 : vector<256x1024xf32>
    %reduce_sum3A = vector.shape_cast %add3A_67 : vector<256x1024xf32> to vector<1x256x1024xf32>
    %reduce_sum3A_68 = arith.constant dense<0.000000e+00> : vector<1xf32>
    %reduce_sum3A_69 = vector.multi_reduction <add>, %reduce_sum3A, %reduce_sum3A_68 [1, 2] : vector<1x256x1024xf32> to vector<1xf32>
    %reduce_sum3A_70 = vector.shape_cast %reduce_sum3A_69 : vector<1xf32> to vector<1x1x1xf32>
    %reduce_sum3A_71 = vector.extract %reduce_sum3A_70[0, 0, 0] : f32 from vector<1x1x1xf32>
    %add3A_72 = arith.addf %get3A_59, %reduce_sum3A_71 : f32
    %swap3A = arith.constant 0 : index
    %swap3A_73 = memref.load %arg6[%swap3A] : memref<8xf32, #tpu.memory_space<smem>>
    memref.store %add3A_72, %arg6[%swap3A] : memref<8xf32, #tpu.memory_space<smem>>
    %eq3A_74 = arith.constant 31 : i32
    %eq3A_75 = arith.cmpi eq, %arg0, %eq3A_74 : i32
    %convert_element_type3A_76 = arith.extui %eq3A_75 : i1 to i32
    %cond3A_77 = arith.constant 0 : i32
    %cond3A_78 = arith.cmpi ne, %convert_element_type3A_76, %cond3A_77 : i32
    scf.if %cond3A_78 {
      %get3A_79 = arith.constant 0 : index
      %get3A_80 = memref.load %arg6[%get3A_79] : memref<8xf32, #tpu.memory_space<smem>>
      %div3A = arith.constant 0x4B000000 : f32
      %div3A_81 = arith.divf %get3A_80, %div3A : f32
      %broadcast_in_dim3A_82 = vector.broadcast %div3A_81 : f32 to vector<1x1xf32>
      %swap3A_83 = arith.constant 0 : index
      %swap3A_84 = arith.constant 0 : index
      %swap3A_85 = vector.load %arg5[%swap3A_83, %swap3A_84] : memref<1x1xf32, #tpu.memory_space<vmem>>, vector<1x1xf32>
      tpu.vector_store %arg5[%swap3A_83, %swap3A_84], %broadcast_in_dim3A_82 {strides = array<i32>} : memref<1x1xf32, #tpu.memory_space<vmem>>, vector<1x1xf32>,
    } else {
    }
    return
  }
  func.func @transform_0(%arg0: i32) -> (i32, i32, i32) {
    %c0_i32 = arith.constant 0 : i32
    %c0_i32_0 = arith.constant 0 : i32
    %c0_i32_1 = arith.constant 0 : i32
    %c0_i32_2 = arith.constant 0 : i32
    return %c0_i32, %c0_i32_0, %c0_i32_1 : i32, i32, i32
  }
  func.func @transform_1(%arg0: i32) -> (i32, i32) {
    %c0_i32 = arith.constant 0 : i32
    %c0_i32_0 = arith.constant 0 : i32
    return %arg0, %c0_i32 : i32, i32
  }
  func.func @transform_2(%arg0: i32) -> (i32, i32) {
    %c0_i32 = arith.constant 0 : i32
    %c0_i32_0 = arith.constant 0 : i32
    return %arg0, %c0_i32 : i32, i32
  }
  func.func @transform_3(%arg0: i32) -> (i32, i32) {
    %c0_i32 = arith.constant 0 : i32
    %c0_i32_0 = arith.constant 0 : i32
    return %arg0, %c0_i32 : i32, i32
  }
  func.func @transform_4(%arg0: i32) -> (i32, i32) {
    %c0_i32 = arith.constant 0 : i32
    %c0_i32_0 = arith.constant 0 : i32
    %c0_i32_1 = arith.constant 0 : i32
    return %c0_i32, %c0_i32_0 : i32, i32
  }
}

</mosaic_0001>

<sc_bundles>
// kernel: kernel.4.cloned.1.call-start
scs
__scs_entry_jumppad:
0x0: {  	(pc) =	sbr.rel $0x88, $3  }
0x1: {  	(tag) =	ssettag $0x0;
	lr =	simm.s32 $0x1  }
0x2: {  	[smem:$0x3F9E] =	sst lr;
	_ =	strace $0xD0000000  }
0x3: {  	_ = 	snop  }
0x4: {  	_ = 	snop  }
0x5: {  	_ = 	snop  }
0x6: {  	_ = 	snop  }
0x7: {  	_ = 	snop  }
__scs_overlays_trampoline_lowered:
0x8: {  	[smem:$0x3FAD] =	sst s0  }
0x9: {  	[smem:$0x3FAE] =	sst s1  }
0xa: {  	[smem:$0x3FAF] =	sst s2  }
0xb: {  	[smem:$0x3FB0] =	sst s3  }
0xc: {  	[smem:$0x3FB1] =	sst s4  }
0xd: {  	[smem:$0x3FB2] =	sst s5  }
0xe: {  	[smem:$0x3FB3] =	sst s6  }
0xf: {  	[smem:$0x3FB4] =	sst s7  }
0x10: {  	[smem:$0x3FB5] =	sst s8  }
0x11: {  	[smem:$0x3FB6] =	sst s9;
	s0 =	simm.s32 @!p0 $0x0  }
0x12: {  	s1 =	sld [smem:$0x3F9C];
	s0 =	simm.s32 @p0 $0x1  }
0x13: {  	[smem:$0x3FB7] =	sst s0;
	s0 =	simm.s32 @!p1 $0x0  }
0x14: {  	s2 =	sld [smem:$0x3F9B];
	s0 =	simm.s32 @p1 $0x1  }
0x15: {  	[smem:$0x3FB8] =	sst s0;
	s0 =	simm.s32 @!p2 $0x0  }
0x16: {  	s3 =	sld [smem:$0x3FDB];
	s0 =	simm.s32 @p2 $0x1  }
0x17: {  	s4 =	simm.s32 $0x1BF5;
	[smem:$0x3FBA] =	sst s0  }
0x18: {  	s0 =	sld [smem:$0x3F9D];
	_ =	swait.ge [sflag:s4], $0x0  }
0x19: {  	s7 =	sld [smem:$0x3F9E]  }
0x1a: {  	s8 =	sadd.s32 $0xFFFFE003, lr  }
0x1b: {  	s9 =	sadd.s32 $0xFFFFFEF7, lr;
	s5 =	simm.s32 $0xFFFFFFFF;
	p2 =	slt.u32 s8, $0xFFFFF086  }
0x1c: {  	p1 =	slt.u32 s9, $0xF7A;
	s5 =	simm.s32 @!p2 $0x0  }
0x1d: {  	s5 =	simm.s32 @p1 $0x1;
	p0 =	seq.s32 s7, s2  }
0x1e: {  	s7 =	smul.u32 @!p0 $0xF7A, s2;
	p2 =	seq.s32 @!p0 s5, $0x0  }
0x1f: {  	s9 =	smul.u32 $0xF7A, s1;
	s8 =	simm.s32 @!p0 $0x1BF5;
	p2 =	por !p2, p0  }
0x20: {  	[sflag:s8] =	ssyncset.s32 @!p0 $0xFFFFF086;
	s6 =	sadd.s32 @!p0 s3, s7;
	s7 =	simm.s32 @!p0 $0x108  }
0x21: {  	s3 =	sadd.s32 s3, s9;
	s6 =	sadd.s32 @!p0 $0x88, s6;
	s7 =	simm.s32 @p2 $0x1082  }
0x22: {  	[simem:s7], [sflag:s8] =	dma.local @!p0 [hbm:s6], $0xF7A  }
0x23: {  	s9 =	sor.u32 $0xD0000000, s2;
	s6 =	simm.s32 $0x108;
	_ =	swait.ge @!p0 [sflag:s8], $0x0  }
0x24: {  	s3 =	sadd.s32 $0x88, s3;
	s6 =	simm.s32 @!p1 $0x1082;
	[sflag:s4] =	ssyncset.s32 $0xFFFFF086  }
0x25: {  	[simem:s6], [sflag:s4] =	dma.local [hbm:s3], $0xF7A  }
0x26: {  	[smem:$0x3F9E] =	sst s1;
	(tag) =	ssettag s2;
	_ =	strace s9  }
0x27: {  	s1 =	sld [smem:$0x3FAE]  }
0x28: {  	s2 =	sld [smem:$0x3FAF]  }
0x29: {  	s4 =	sld [smem:$0x3FB1]  }
0x2a: {  	p0 =	seq.s32 s5, $0x0;
	s5 =	sld [smem:$0x3FB2]  }
0x2b: {  	s6 =	sld [smem:$0x3FB3]  }
0x2c: {  	s7 =	sld [smem:$0x3FB4]  }
0x2d: {  	s3 =	simm.s32 $0x108;
	s8 =	sld [smem:$0x3FB5]  }
0x2e: {  	s3 =	simm.s32 @!p0 $0x1082;
	s9 =	sld [smem:$0x3FB6]  }
0x2f: {  	lr =	sadd.s32 s0, s3;
	s0 =	sld [smem:$0x3FAD]  }
0x30: {  	s3 =	sld [smem:$0x3FB0]  }
0x31: {  	[smem:$0x3FB9] =	sst s10  }
0x32: {  	s10 =	sld [smem:$0x3FB7];
	_ =	sdelay $0x3  }
0x33: {  	p0 =	seq.s32 s10, $0x1;
	s10 =	sld [smem:$0x3FB9];
	_ =	sdelay $0x3  }
0x34: {  	[smem:$0x3FB9] =	sst s10  }
0x35: {  	s10 =	sld [smem:$0x3FB8];
	_ =	sdelay $0x3  }
0x36: {  	p1 =	seq.s32 s10, $0x1;
	s10 =	sld [smem:$0x3FB9];
	_ =	sdelay $0x3  }
0x37: {  	[smem:$0x3FB9] =	sst s10  }
0x38: {  	s10 =	sld [smem:$0x3FBA]  }
0x39: {  	_ = 	snop;
	(pc) =	sbr.ind lr, $3  }
0x3a: {  	_ = 	snop  }
0x3b: {  	_ = 	snop  }
0x3c: {  	p2 =	seq.s32 s10, $0x1;
	s10 =	sld [smem:$0x3FB9]  }
0x3d: {  	_ =	shalt  }
0x3e: {  	_ =	shalt  }
0x3f: {  	_ =	shalt  }
0x40: {  	_ =	shalt  }
0x41: {  	_ =	shalt  }
0x42: {  	_ =	shalt  }
0x43: {  	_ =	shalt  }
0x44: {  	_ =	shalt  }
0x45: {  	_ =	shalt  }
0x46: {  	_ =	shalt  }
0x47: {  	_ =	shalt  }
0x48: {  	_ =	shalt  }
0x49: {  	_ =	shalt  }
0x4a: {  	_ =	shalt  }
0x4b: {  	_ =	shalt  }
0x4c: {  	_ =	shalt  }
0x4d: {  	_ =	shalt  }
0x4e: {  	_ =	shalt  }
0x4f: {  	_ =	shalt  }
0x50: {  	_ =	shalt  }
0x51: {  	_ =	shalt  }
0x52: {  	_ =	shalt  }
0x53: {  	_ =	shalt  }
0x54: {  	_ =	shalt  }
0x55: {  	_ =	shalt  }
0x56: {  	_ =	shalt  }
0x57: {  	_ =	shalt  }
0x58: {  	_ =	shalt  }
0x59: {  	_ =	shalt  }
0x5a: {  	_ =	shalt  }
0x5b: {  	_ =	shalt  }
0x5c: {  	_ =	shalt  }
0x5d: {  	_ =	shalt  }
0x5e: {  	_ =	shalt  }
0x5f: {  	_ =	shalt  }
0x60: {  	_ =	shalt  }
0x61: {  	_ =	shalt  }
0x62: {  	_ =	shalt  }
0x63: {  	_ =	shalt  }
0x64: {  	_ =	shalt  }
0x65: {  	_ =	shalt  }
0x66: {  	_ =	shalt  }
0x67: {  	_ =	shalt  }
0x68: {  	_ =	shalt  }
0x69: {  	_ =	shalt  }
0x6a: {  	_ =	shalt  }
0x6b: {  	_ =	shalt  }
0x6c: {  	_ =	shalt  }
0x6d: {  	_ =	shalt  }
0x6e: {  	_ =	shalt  }
0x6f: {  	_ =	shalt  }
0x70: {  	_ =	shalt  }
0x71: {  	_ =	shalt  }
0x72: {  	_ =	shalt  }
0x73: {  	_ =	shalt  }
0x74: {  	_ =	shalt  }
0x75: {  	_ =	shalt  }
0x76: {  	_ =	shalt  }
0x77: {  	_ =	shalt  }
0x78: {  	_ =	shalt  }
0x79: {  	_ =	shalt  }
0x7a: {  	_ =	shalt  }
0x7b: {  	_ =	shalt  }
0x7c: {  	_ =	shalt  }
0x7d: {  	_ =	shalt  }
0x7e: {  	_ =	shalt  }
0x7f: {  	_ =	shalt  }
0x80: {  	_ =	shalt  }
0x81: {  	_ =	shalt  }
0x82: {  	_ =	shalt  }
0x83: {  	_ =	shalt  }
0x84: {  	_ =	shalt  }
0x85: {  	_ =	shalt  }
0x86: {  	_ =	shalt  }
0x87: {  	_ =	shalt  }
.Lfunc_end0:
.L_simem_size_0:
called_computation_lowered:
.L_overlay_start_0:
0x88: {  	s2 =	sld [smem:$0x3FD9]  }
0x89: {  	s3 =	sld [smem:$0x3FFE];
	_ =	sdelay $0x1  }
0x8a: {  	s1 =	srdreg.scid  }
0x8b: {  	s0 =	sand.u32 $0x1, s1  }
0x8c: {  	s17 =	sshll.u32 s0, $0xA;
	s2 =	sadd.s32 s3, s2  }
0x8d: {  	s2 =	sadd.s32 s2, s17  }
0x8e: {  	[smem:$0x3FC5] =	sst s2  }
0x8f: {  	_ = 	snop  }
0x90: {  	s2 =	sld [smem:$0x3FC9];
	(tm) =	ssettm $0x1  }
0x91: {  	s18 =	sld [smem:$0x3FFB];
	_ =	sdelay $0x3  }
0x92: {  	_ =	strace s18  }
0x93: {  	s3 =	sld [smem:$0x3FFC];
	_ =	sdelay $0x3  }
0x94: {  	_ =	strace s3  }
0x95: {  	s3 =	sld [smem:$0x3FFD];
	_ =	sdelay $0x3  }
0x96: {  	_ =	strace s3  }
0x97: {  	_ =	strace $0x8FFFFFFF  }
0x98: {  	s19 =	sld [smem:$0x3FDB];
	_ =	sdelay $0x1  }
0x99: {  	s4 =	simm.s32 $_scs_section_size  }
0x9a: {  	s5 =	simm.s32 $_size__tile_overlayer_lowered;
	s6 =	simm.s32 $_tile_overlayer_lowered  }
0x9b: {  	s22 =	simm.s32 $0x1BFF;
	s21 =	sshll.u32 s6, $0x1;
	s3 =	sadd.s32 s4, s19  }
0x9c: {  	s7 =	simm.s32 $0x0;
	s20 =	sshll.u32 s5, $0x1;
	s5 =	sadd.s32 s21, s3  }
0x9d: {  	[timem:s7], [sflag:s22] =	dma.local [hbm:s5], s20  }
0x9e: {  	_ =	swait.ge [sflag:s22], s20  }
0x9f: {  	s4 =	ssub.s32 $0x0, s20;
	[sflag:s22] =	ssyncset.done $0x0  }
0xa0: {  	[sflag:s22] =	ssyncadd.s32 s4;
	_ =	sdelay $0x1  }
0xa1: {  	s23 =	simm.s32 $0x1B8B  }
0xa2: {  	_ =	swait.ge [sflag:s23], $0x1  }
0xa3: {  	[sflag:s23] =	ssyncset.done $0x0  }
0xa4: {  	s25 =	simm.s32 $0x1B8E;
	s24 =	sld [smem:$0x3FFE];
	[sflag:s23] =	ssyncadd.s32 $0xFFFFFFFF  }
0xa5: {  	s26 =	simm.s32 $execute0_lowered;
	[smem:$0x3FD2] =	sst s25  }
0xa6: {  	s5 =	sshll.u32 s26, $0x1;
	_ =	strace $0x80000046;
	[dreg:$0x1] =	wrdreg $0xFFFFFFFF  }
0xa7: {  	s28 =	simm.s32 $_size_execute0_lowered;
	s3 =	sadd.s32 s3, s5;
	[dreg:$0x0] =	wrdreg $0x0  }
0xa8: {  	s5 =	sshll.u32 s28, $0x1;
	[dreg:$0x2] =	wrdreg s3  }
0xa9: {  	[dreg:$0x3] =	wrdreg s5  }
0xaa: {  	[dreg:$0x4] =	wrdreg $0xC0  }
0xab: {  	_ =	task [dreg:s7], $0x5FFFF  }
0xac: {  	[dreg:$0x1] =	wrdreg $0xFFFFFFFF  }
0xad: {  	[dreg:$0x0] =	wrdreg $0x60  }
0xae: {  	[dreg:$0x2] =	wrdreg s2  }
0xaf: {  	[dreg:$0x3] =	wrdreg s24  }
0xb0: {  	[dreg:$0x4] =	wrdreg $0x9  }
0xb1: {  	_ =	task.clear_ibuf [dreg:s7], $0x5FFFF;
	_ =	strace $0x90000046  }
0xb2: {  	s29 =	simm.s32 $0x9;
	_ =	strace $0x80000048  }
0xb3: {  	_ =	swait.ge [sflag:s29], $0x1  }
0xb4: {  	[sflag:s29] =	ssyncadd.s32 $0xFFFFFFFF  }
0xb5: {  	_ =	strace $0x90000048  }
0xb6: {  	_ =	sfence  }
0xb7: {  	s30 =	sld [smem:$0x0];
	_ =	sdelay $0x2  }
0xb8: {  	s31 =	sshll.u32 s1, $0xD;
	s1 =	sshrl.u32 s1, $0x2  }
0xb9: {  	s3 =	sand.u32 $0x4000, s31;
	s1 =	sadd.s32 s1, s30  }
0xba: {  	s0 =	sor.u32 s3, s0;
	s1 =	sshll.u32 s1, $0x11  }
0xbb: {  	s0 =	sor.u32 s1, s0  }
0xbc: {  	s0 =	sadd.s32 $0x8F2B, s0  }
0xbd: {  	[sflag:s0] =	ssyncadd.remote.s32 $0x1  }
0xbe: {  	_ =	sfence.sel $0xFFFF  }
0xbf: {  	[dreg:$0x0] =	wrdreg $0xFFFFFFFF;
	(pc) =	sbr.abs _section_cstart, $3  }
0xc0: {  	[dreg:$0x1] =	wrdreg $0xFFFFFFFF  }
0xc1: {  	_ =	task.clear_ibuf [dreg:s7], $0x2FFFF;
	_ =	strace $0x9FFFFFFF  }
0xc2: {  	(tm) =	ssettm $0x7FFFFFFF  }
0xc3: {  	_ =	shalt  }
tec
execute0_lowered:
.L_overlay_start_1:
0x0: {  	(tag) =	ssettag $0x1  }
0x1: {  	s1 =	rddreg [dreg:$0x0]  }
0x2: {  	s4 =	rddreg [dreg:$0x1]  }
0x3: {  	s0 =	rddreg [dreg:$0x2];
	s3 =	simm.s32 $0x0;
	s2 =	stileid.u32  }
0x4: {  	s5 =	srdreg.scid;
	s11 =	simm.s32 $0x2;
	s12 =	simm.s32 $0x80  }
0x5: {  	s13 =	simm.s32 $0x400;
	s14 =	simm.s32 $0x12000;
	s15 =	simm.s32 $0x3  }
0x6: {  	s16 =	simm.s32 $0x0;
	[smem:$0x7FF] =	sst s3;
	s6 =	sshll.u32 s2, $0xA  }
0x7: {  	s5 =	sand.u32 $0x1, s5;
	s7 =	sshll.u32 s2, $0x1;
	_ =	strace $0x80000047  }
0x8: {  	s6 =	sand.u32 $0x3000, s6;
	s8 =	ssub.s32 $0x2, s5;
	s5 =	sor.u32 s5, s7  }
0x9: {  	s9 =	sadd.s32 s6, s4;
	s28 =	sshrl.u32 s8, $0x1;
	s29 =	sshll.u32 s5, $0xF  }
0xa: {  	s30 =	sshll.u32 s5, $0x4;
	s7 =	sshll.u32 s5, $0x12;
	s10 =	ssub.s32 s8, s28  }
0xb: {  	s4 =	sadd.s32 s1, s29;
	s31 =	sand.u32 $0x70, s30;
	s6 =	sor.u32 $0x2000, s7  }
0xc: {  	v1 =	vlaneseq.u32;
	s7 =	sor.u32 $0x3000, s7;
	s5 =	sadd.s32 $0x200, s4;
	s8 =	sadd.s32 s31, s9  }
0xd: {  	v0 =	vimm.f32 $0.0e+00;
	v2 =	vimm.f32 $1.000000000e+00;
	v1 =	vmul.u32 $0x1000, v1;
	s9 =	smax.u32 s10, $0x1;
	s10 =	simm.s32 $0x1;
	s8 =	sadd.s32 $0x400, s8  }
.LBB2_1:
0xe: {  	s17 =	simm.s32 $0x0  }
.LBB2_2:
0xf: {  	p0 =	sne.s32 s17, $0x3FFC0  }
.Ltmp0:
0x10: {  	_ = 	snop;
	(pc) =	sbr.rel @p0 .LBB2_2-.Ltmp0, $3  }
0x11: {  	_ =	sdelay $0x1  }
0x12: {  	s18 =	sshra.s32 s17, $0x2  }
0x13: {  	s17 =	sadd.s32 $0x40, s17;
	[tilespmem:s18+$0x0] =	vst v0  }
0x14: {  	s17 =	simm.s32 $0x10000  }
0x15: {  	s18 =	simm.s32 $0x10;
	s20 =	sadd.s32 $0x0, s4;
	s19 =	simm.s32 $0x10100  }
.LBB2_4:
0x16: {  	[tilespmem:s17], [sflag:$0x1] =	stream.linear.gather [hbm4b:s20+s3], $0x80, $0x38;
	[tilespmem:$0x13000] =	vst v63  }
0x17: {  	s20 =	smov.u32 s18;
	s17 =	smov.u32 s19;
	p0 =	sne.s32 s18, $0x1F0  }
.Ltmp1:
0x18: {  	s18 =	sadd.s32 $0x10, s18;
	(pc) =	sbr.rel @p0 .LBB2_4-.Ltmp1, $2  }
0x19: {  	_ =	sdelay $0x2  }
0x1a: {  	s19 =	sadd.s32 $0x100, s19;
	s20 =	sadd.s32 s20, s4  }
0x1b: {  	[tilespmem:s17], [sflag:$0x1] =	stream.linear.gather [hbm4b:s20+s3], $0x80, $0x38;
	[tilespmem:$0x13000] =	vst v63  }
0x1c: {  	s17 =	simm.s32 $0x0;
	s18 =	simm.s32 $0x10080  }
0x1d: {  	s19 =	simm.s32 $0x10;
	s21 =	sadd.s32 $0x0, s5;
	s20 =	simm.s32 $0x10180  }
.LBB2_6:
0x1e: {  	[tilespmem:s18], [sflag:$0x2] =	stream.linear.gather [hbm4b:s21+s17], $0x80, $0x38;
	[tilespmem:$0x13000] =	vst v63  }
0x1f: {  	s21 =	smov.u32 s19;
	s18 =	smov.u32 s20;
	p0 =	sne.s32 s19, $0x1F0  }
.Ltmp2:
0x20: {  	s19 =	sadd.s32 $0x10, s19;
	(pc) =	sbr.rel @p0 .LBB2_6-.Ltmp2, $2  }
0x21: {  	_ =	sdelay $0x2  }
0x22: {  	s20 =	sadd.s32 $0x100, s20;
	s21 =	sadd.s32 s21, s5  }
0x23: {  	[tilespmem:s18], [sflag:$0x2] =	stream.linear.gather [hbm4b:s21+s17], $0x80, $0x38;
	[tilespmem:$0x13000] =	vst v63  }
.LBB2_8:
0x24: {  	_ =	swait.ge [sflag:s10], $0x1000  }
0x25: {  	[sflag:s10] =	ssyncset.done $0x0  }
0x26: {  	s18 =	simm.s32 $0x10100;
	[sflag:s10] =	ssyncadd.s32 $0xFFFFF000  }
0x27: {  	v3 =	vld [tilespmem:s18+$0xFFFFFF60]  }
0x28: {  	v4 =	vld [tilespmem:s18+$0xFFFFFF70]  }
0x29: {  	v5 =	vld [tilespmem:s18+$0x10]  }
0x2a: {  	v6 =	vld [tilespmem:s18+$0x0]  }
0x2b: {  	v7 =	vld [tilespmem:s18+$0xFFFFFF40]  }
0x2c: {  	v8 =	vld [tilespmem:s18+$0xFFFFFF30]  }
0x2d: {  	v9 =	vld [tilespmem:s18+$0xFFFFFF20]  }
0x2e: {  	v11 =	vld [tilespmem:s18+$0xFFFFFF10]  }
0x2f: {  	v14 =	vld [tilespmem:s18+$0x50]  }
0x30: {  	v5 =	vmul.f32 $4.096000000e+03, v5  }
0x31: {  	v4 =	vmul.f32 $4.096000000e+03, v4;
	v6 =	vmul.f32 $4.096000000e+03, v6  }
0x32: {  	v3 =	vmul.f32 $4.096000000e+03, v3;
	v7 =	vmul.f32 $4.096000000e+03, v7  }
0x33: {  	v8 =	vmul.f32 $4.096000000e+03, v8;
	v9 =	vmul.f32 $4.096000000e+03, v9  }
0x34: {  	v10 =	vld [tilespmem:s18+$0x20];
	v18 =	vmul.f32 $4.096000000e+03, v11;
	v14 =	vmul.f32 $4.096000000e+03, v14  }
0x35: {  	v4 =	vtrunc.f32 v4;
	v5 =	vtrunc.f32 v5  }
0x36: {  	v8 =	vtrunc.f32 v8;
	v12 =	vcvt.f32.s32 v5  }
0x37: {  	v13 =	vld [tilespmem:s18+$0xFFFFFF50];
	v6 =	vtrunc.f32 v6;
	v8 =	vcvt.f32.s32 v8  }
0x38: {  	v11 =	vld [tilespmem:s18+$0x30];
	v17 =	vtrunc.f32 v7;
	v4 =	vcvt.f32.s32 v4;
	v16 =	vadd.s32 v1, v12  }
0x39: {  	v7 =	vmul.f32 $4.096000000e+03, v10;
	v10 =	vld [tilespmem:s18+$0x60];
	v6 =	vcvt.f32.s32 v6;
	v8 =	vadd.s32 v1, v8  }
0x3a: {  	v15 =	vtrunc.f32 v9;
	v3 =	vtrunc.f32 v3;
	v9 =	vld [tilespmem:s18+$0x70];
	v19 =	vadd.s32 v1, v4  }
0x3b: {  	v5 =	vld [tilespmem:s18+$0xFFFFFF00];
	v15 =	vcvt.f32.s32 v15;
	v12 =	vadd.s32 v1, v6;
	v6 =	vtrunc.f32 v18  }
0x3c: {  	v7 =	vtrunc.f32 v7;
	v4 =	vld [tilespmem:s18+$0x40];
	v6 =	vcvt.f32.s32 v6  }
0x3d: {  	v63 =	vcvt.f32.s32 v3;
	[tilespmem:v16+s3+$0x0] =	vst.idx.add.f32.msk $0xffff, v2;
	v16 =	vcvt.f32.s32 v7  }
0x3e: {  	v3 =	vadd.s32 v1, v15;
	v15 =	vmul.f32 $4.096000000e+03, v13;
	v6 =	vadd.s32 v1, v6;
	[tilespmem:v8+s3+$0x0] =	vst.idx.add.f32.msk $0xffff, v2  }
0x3f: {  	s19 =	simm.s32 $0x10300;
	s18 =	simm.s32 $0x0;
	v7 =	vadd.s32 v1, v63;
	v8 =	vcvt.f32.s32 v17;
	[tilespmem:v19+s3+$0x0] =	vst.idx.add.f32.msk $0xffff, v2;
	v13 =	vadd.s32 v1, v16  }
.LBB2_9:
0x40: {  	s18 =	sadd.s32 $0x10, s18;
	v15 =	vtrunc.f32 v15;
	[tilespmem:v12+s3+$0x0] =	vst.idx.add.f32.msk $0xffff, v2;
	v10 =	vmul.f32 $4.096000000e+03, v10  }
0x41: {  	v11 =	vmul.f32 $4.096000000e+03, v11;
	v14 =	vtrunc.f32 v14;
	v12 =	vld [tilespmem:s19+$0xFFFFFF20];
	p0 =	slt.u32 s18, $0xF0  }
0x42: {  	v5 =	vmul.f32 $4.096000000e+03, v5;
	v9 =	vmul.f32 $4.096000000e+03, v9;
	v16 =	vld [tilespmem:s19+$0xFFFFFF30]  }
0x43: {  	v15 =	vcvt.f32.s32 v15;
	v10 =	vtrunc.f32 v10;
	v17 =	vld [tilespmem:s19+$0xFFFFFF60]  }
0x44: {  	v5 =	vtrunc.f32 v5;
	v9 =	vtrunc.f32 v9;
	[tilespmem:v13+s3+$0x0] =	vst.idx.add.f32.msk $0xffff, v2  }
0x45: {  	v14 =	vcvt.f32.s32 v14;
	v5 =	vcvt.f32.s32 v5;
	v15 =	vadd.s32 v1, v15;
	v13 =	vld [tilespmem:s19+$0xFFFFFF70]  }
0x46: {  	v8 =	vadd.s32 v1, v8;
	v11 =	vtrunc.f32 v11;
	v10 =	vcvt.f32.s32 v10;
	v18 =	vld [tilespmem:s19+$0x10]  }
0x47: {  	v11 =	vcvt.f32.s32 v11;
	v14 =	vadd.s32 v1, v14;
	v5 =	vadd.s32 v1, v5;
	v19 =	vld [tilespmem:s19+$0x0]  }
0x48: {  	v4 =	vmul.f32 $4.096000000e+03, v4;
	v9 =	vcvt.f32.s32 v9;
	[tilespmem:v7+s3+$0x0] =	vst.idx.add.f32.msk $0xffff, v2;
	v7 =	vadd.s32 v1, v10  }
0x49: {  	[tilespmem:v6+s3+$0x0] =	vst.idx.add.f32.msk $0xffff, v2;
	v6 =	vadd.s32 v1, v11  }
0x4a: {  	v4 =	vtrunc.f32 v4;
	v9 =	vadd.s32 v1, v9;
	[tilespmem:v15+s3+$0x0] =	vst.idx.add.f32.msk $0xffff, v2  }
0x4b: {  	v4 =	vcvt.f32.s32 v4;
	v10 =	vld [tilespmem:s19+$0xFFFFFF40]  }
0x4c: {  	[tilespmem:v14+s3+$0x0] =	vst.idx.add.f32.msk $0xffff, v2  }
0x4d: {  	v4 =	vadd.s32 v1, v4;
	[tilespmem:v7+s3+$0x0] =	vst.idx.add.f32.msk $0xffff, v2  }
0x4e: {  	v7 =	vmul.f32 $4.096000000e+03, v18;
	[tilespmem:v5+s3+$0x0] =	vst.idx.add.f32.msk $0xffff, v2  }
0x4f: {  	v5 =	vmul.f32 $4.096000000e+03, v19;
	[tilespmem:v3+s3+$0x0] =	vst.idx.add.f32.msk $0xffff, v2  }
0x50: {  	v3 =	vmul.f32 $4.096000000e+03, v13;
	[tilespmem:v9+s3+$0x0] =	vst.idx.add.f32.msk $0xffff, v2  }
0x51: {  	v9 =	vmul.f32 $4.096000000e+03, v17;
	[tilespmem:v6+s3+$0x0] =	vst.idx.add.f32.msk $0xffff, v2  }
0x52: {  	v3 =	vtrunc.f32 v3;
	[tilespmem:v4+s3+$0x0] =	vst.idx.add.f32.msk $0xffff, v2  }
0x53: {  	v6 =	vtrunc.f32 v7;
	v4 =	vmul.f32 $4.096000000e+03, v10;
	[tilespmem:v8+s3+$0x0] =	vst.idx.add.f32.msk $0xffff, v2  }
0x54: {  	v7 =	vmul.f32 $4.096000000e+03, v16;
	v8 =	vld [tilespmem:s19+$0x20]  }
0x55: {  	v5 =	vtrunc.f32 v5;
	v10 =	vmul.f32 $4.096000000e+03, v12;
	v11 =	vld [tilespmem:s19+$0xFFFFFF10]  }
0x56: {  	v6 =	vcvt.f32.s32 v6;
	v7 =	vtrunc.f32 v7;
	v13 =	vld [tilespmem:s19+$0xFFFFFF50]  }
0x57: {  	v12 =	vcvt.f32.s32 v5;
	v7 =	vcvt.f32.s32 v7;
	v14 =	vld [tilespmem:s19+$0x50]  }
0x58: {  	v3 =	vcvt.f32.s32 v3;
	v15 =	vtrunc.f32 v10;
	v6 =	vadd.s32 v1, v6;
	v5 =	vld [tilespmem:s19+$0xFFFFFF00]  }
0x59: {  	v16 =	vtrunc.f32 v4;
	v7 =	vadd.s32 v1, v7;
	v4 =	vmul.f32 $4.096000000e+03, v8;
	v10 =	vld [tilespmem:s19+$0x60]  }
0x5a: {  	v17 =	vtrunc.f32 v9;
	v18 =	vadd.s32 v1, v3;
	v8 =	vmul.f32 $4.096000000e+03, v11;
	v9 =	vld [tilespmem:s19+$0x70]  }
.Ltmp3:
0x5b: {  	v12 =	vadd.s32 v1, v12;
	v3 =	vcvt.f32.s32 v15;
	v15 =	vtrunc.f32 v4;
	v11 =	vld [tilespmem:s19+$0x30];
	(pc) =	sbr.rel @p0 .LBB2_9-.Ltmp3, $4  }
0x5c: {  	v17 =	vcvt.f32.s32 v17;
	v8 =	vtrunc.f32 v8;
	v4 =	vld [tilespmem:s19+$0x40]  }
0x5d: {  	v3 =	vadd.s32 v1, v3;
	v19 =	vcvt.f32.s32 v15;
	v8 =	vcvt.f32.s32 v8;
	[tilespmem:v6+s3+$0x0] =	vst.idx.add.f32.msk $0xffff, v2  }
0x5e: {  	v15 =	vmul.f32 $4.096000000e+03, v13;
	v14 =	vmul.f32 $4.096000000e+03, v14;
	[tilespmem:v7+s3+$0x0] =	vst.idx.add.f32.msk $0xffff, v2;
	v7 =	vadd.s32 v1, v17  }
0x5f: {  	s19 =	sadd.s32 $0x200, s19;
	v13 =	vadd.s32 v1, v19;
	v6 =	vadd.s32 v1, v8;
	v8 =	vcvt.f32.s32 v16;
	[tilespmem:v18+s3+$0x0] =	vst.idx.add.f32.msk $0xffff, v2  }
0x60: {  	v15 =	vtrunc.f32 v15;
	v10 =	vmul.f32 $4.096000000e+03, v10  }
0x61: {  	v14 =	vtrunc.f32 v14;
	v5 =	vmul.f32 $4.096000000e+03, v5  }
0x62: {  	v9 =	vmul.f32 $4.096000000e+03, v9;
	v11 =	vmul.f32 $4.096000000e+03, v11  }
0x63: {  	v15 =	vcvt.f32.s32 v15;
	v14 =	vcvt.f32.s32 v14  }
0x64: {  	[tilespmem:v12+s3+$0x0] =	vst.idx.add.f32.msk $0xffff, v2;
	v4 =	vmul.f32 $4.096000000e+03, v4;
	v8 =	vadd.s32 v1, v8;
	v10 =	vtrunc.f32 v10  }
0x65: {  	[tilespmem:v13+s3+$0x0] =	vst.idx.add.f32.msk $0xffff, v2;
	v5 =	vtrunc.f32 v5;
	v15 =	vadd.s32 v1, v15;
	v10 =	vcvt.f32.s32 v10  }
0x66: {  	[tilespmem:v7+s3+$0x0] =	vst.idx.add.f32.msk $0xffff, v2;
	v9 =	vtrunc.f32 v9;
	v5 =	vcvt.f32.s32 v5;
	v59 =	vadd.s32 v1, v14  }
0x67: {  	[tilespmem:v6+s3+$0x0] =	vst.idx.add.f32.msk $0xffff, v2;
	v11 =	vtrunc.f32 v11;
	v60 =	vcvt.f32.s32 v9;
	v10 =	vadd.s32 v1, v10  }
0x68: {  	[tilespmem:v3+s3+$0x0] =	vst.idx.add.f32.msk $0xffff, v2;
	v61 =	vcvt.f32.s32 v11;
	v4 =	vtrunc.f32 v4;
	v5 =	vadd.s32 v1, v5  }
0x69: {  	v4 =	vcvt.f32.s32 v4;
	v62 =	vadd.s32 v1, v60;
	[tilespmem:v8+s3+$0x0] =	vst.idx.add.f32.msk $0xffff, v2  }
0x6a: {  	v63 =	vadd.s32 v1, v61;
	[tilespmem:v15+s3+$0x0] =	vst.idx.add.f32.msk $0xffff, v2  }
0x6b: {  	p0 =	seq.s32 s17, $0x1F;
	v4 =	vadd.s32 v1, v4;
	[tilespmem:v59+s3+$0x0] =	vst.idx.add.f32.msk $0xffff, v2  }
.Ltmp4:
0x6c: {  	[tilespmem:v10+s3+$0x0] =	vst.idx.add.f32.msk $0xffff, v2;
	(pc) =	sbr.rel @p0 .LBB2_14-.Ltmp4, $4  }
0x6d: {  	[tilespmem:v5+s3+$0x0] =	vst.idx.add.f32.msk $0xffff, v2  }
0x6e: {  	[tilespmem:v62+s3+$0x0] =	vst.idx.add.f32.msk $0xffff, v2  }
0x6f: {  	[tilespmem:v63+s3+$0x0] =	vst.idx.add.f32.msk $0xffff, v2  }
0x70: {  	s18 =	sshll.u32 s17, $0xD;
	[tilespmem:v4+s3+$0x0] =	vst.idx.add.f32.msk $0xffff, v2  }
0x71: {  	s19 =	sadd.s32 s18, s6  }
0x72: {  	s19 =	sshrl.u32 s19, $0x3  }
0x73: {  	s20 =	simm.s32 $0x10000;
	s19 =	sadd.s32 s1, s19  }
0x74: {  	s21 =	simm.s32 $0x10;
	s22 =	simm.s32 $0x10100;
	s23 =	sadd.s32 $0x0, s19  }
.LBB2_12:
0x75: {  	[tilespmem:s20], [sflag:$0x1] =	stream.linear.gather [hbm4b:s23+s3], $0x80, $0x38;
	[tilespmem:$0x13000] =	vst v63  }
0x76: {  	s23 =	smov.u32 s21;
	s20 =	smov.u32 s22;
	p1 =	sne.s32 s21, $0x1F0  }
.Ltmp5:
0x77: {  	s21 =	sadd.s32 $0x10, s21;
	(pc) =	sbr.rel @p1 .LBB2_12-.Ltmp5, $2  }
0x78: {  	_ =	sdelay $0x2  }
0x79: {  	s22 =	sadd.s32 $0x100, s22;
	s23 =	sadd.s32 s23, s19  }
0x7a: {  	[tilespmem:s20], [sflag:$0x1] =	stream.linear.gather [hbm4b:s23+s3], $0x80, $0x38;
	[tilespmem:$0x13000] =	vst v63  }
.LBB2_14:
0x7b: {  	_ =	swait.ge [sflag:s11], $0x1000  }
0x7c: {  	[sflag:s11] =	ssyncset.done $0x0  }
0x7d: {  	s19 =	simm.s32 $0x10180;
	[sflag:s11] =	ssyncadd.s32 $0xFFFFF000  }
0x7e: {  	v3 =	vld [tilespmem:s19+$0xFFFFFF60]  }
0x7f: {  	v4 =	vld [tilespmem:s19+$0xFFFFFF70]  }
0x80: {  	v5 =	vld [tilespmem:s19+$0x10]  }
0x81: {  	v6 =	vld [tilespmem:s19+$0x0]  }
0x82: {  	v7 =	vld [tilespmem:s19+$0xFFFFFF40]  }
0x83: {  	v8 =	vld [tilespmem:s19+$0xFFFFFF30]  }
0x84: {  	v9 =	vld [tilespmem:s19+$0xFFFFFF20]  }
0x85: {  	v11 =	vld [tilespmem:s19+$0xFFFFFF10]  }
0x86: {  	v14 =	vld [tilespmem:s19+$0x50]  }
0x87: {  	v5 =	vmul.f32 $4.096000000e+03, v5  }
0x88: {  	v4 =	vmul.f32 $4.096000000e+03, v4;
	v6 =	vmul.f32 $4.096000000e+03, v6  }
0x89: {  	v3 =	vmul.f32 $4.096000000e+03, v3;
	v7 =	vmul.f32 $4.096000000e+03, v7  }
0x8a: {  	v8 =	vmul.f32 $4.096000000e+03, v8;
	v9 =	vmul.f32 $4.096000000e+03, v9  }
0x8b: {  	v10 =	vld [tilespmem:s19+$0x20];
	v18 =	vmul.f32 $4.096000000e+03, v11;
	v14 =	vmul.f32 $4.096000000e+03, v14  }
0x8c: {  	v4 =	vtrunc.f32 v4;
	v5 =	vtrunc.f32 v5  }
0x8d: {  	v8 =	vtrunc.f32 v8;
	v12 =	vcvt.f32.s32 v5  }
0x8e: {  	v13 =	vld [tilespmem:s19+$0xFFFFFF50];
	v6 =	vtrunc.f32 v6;
	v8 =	vcvt.f32.s32 v8  }
0x8f: {  	v11 =	vld [tilespmem:s19+$0x30];
	v17 =	vtrunc.f32 v7;
	v4 =	vcvt.f32.s32 v4;
	v16 =	vadd.s32 v1, v12  }
0x90: {  	v7 =	vmul.f32 $4.096000000e+03, v10;
	v10 =	vld [tilespmem:s19+$0x60];
	v6 =	vcvt.f32.s32 v6;
	v8 =	vadd.s32 v1, v8  }
0x91: {  	v15 =	vtrunc.f32 v9;
	v3 =	vtrunc.f32 v3;
	v9 =	vld [tilespmem:s19+$0x70];
	v19 =	vadd.s32 v1, v4  }
0x92: {  	v5 =	vld [tilespmem:s19+$0xFFFFFF00];
	v15 =	vcvt.f32.s32 v15;
	v12 =	vadd.s32 v1, v6;
	v6 =	vtrunc.f32 v18  }
0x93: {  	v7 =	vtrunc.f32 v7;
	v4 =	vld [tilespmem:s19+$0x40];
	v6 =	vcvt.f32.s32 v6  }
0x94: {  	v63 =	vcvt.f32.s32 v3;
	[tilespmem:v16+s3+$0x0] =	vst.idx.add.f32.msk $0xffff, v2;
	v16 =	vcvt.f32.s32 v7  }
0x95: {  	v3 =	vadd.s32 v1, v15;
	v15 =	vmul.f32 $4.096000000e+03, v13;
	v6 =	vadd.s32 v1, v6;
	[tilespmem:v8+s3+$0x0] =	vst.idx.add.f32.msk $0xffff, v2  }
0x96: {  	s20 =	simm.s32 $0x10380;
	s19 =	simm.s32 $0x0;
	v7 =	vadd.s32 v1, v63;
	v8 =	vcvt.f32.s32 v17;
	[tilespmem:v19+s3+$0x0] =	vst.idx.add.f32.msk $0xffff, v2;
	v13 =	vadd.s32 v1, v16  }
.LBB2_15:
0x97: {  	s19 =	sadd.s32 $0x10, s19;
	v15 =	vtrunc.f32 v15;
	[tilespmem:v12+s3+$0x0] =	vst.idx.add.f32.msk $0xffff, v2;
	v10 =	vmul.f32 $4.096000000e+03, v10  }
0x98: {  	v11 =	vmul.f32 $4.096000000e+03, v11;
	v14 =	vtrunc.f32 v14;
	v12 =	vld [tilespmem:s20+$0xFFFFFF20];
	p1 =	slt.u32 s19, $0xF0  }
0x99: {  	v5 =	vmul.f32 $4.096000000e+03, v5;
	v9 =	vmul.f32 $4.096000000e+03, v9;
	v16 =	vld [tilespmem:s20+$0xFFFFFF30]  }
0x9a: {  	v15 =	vcvt.f32.s32 v15;
	v10 =	vtrunc.f32 v10;
	v17 =	vld [tilespmem:s20+$0xFFFFFF60]  }
0x9b: {  	v5 =	vtrunc.f32 v5;
	v9 =	vtrunc.f32 v9;
	[tilespmem:v13+s3+$0x0] =	vst.idx.add.f32.msk $0xffff, v2  }
0x9c: {  	v14 =	vcvt.f32.s32 v14;
	v5 =	vcvt.f32.s32 v5;
	v15 =	vadd.s32 v1, v15;
	v13 =	vld [tilespmem:s20+$0xFFFFFF70]  }
0x9d: {  	v8 =	vadd.s32 v1, v8;
	v11 =	vtrunc.f32 v11;
	v10 =	vcvt.f32.s32 v10;
	v18 =	vld [tilespmem:s20+$0x10]  }
0x9e: {  	v11 =	vcvt.f32.s32 v11;
	v14 =	vadd.s32 v1, v14;
	v5 =	vadd.s32 v1, v5;
	v19 =	vld [tilespmem:s20+$0x0]  }
0x9f: {  	v4 =	vmul.f32 $4.096000000e+03, v4;
	v9 =	vcvt.f32.s32 v9;
	[tilespmem:v7+s3+$0x0] =	vst.idx.add.f32.msk $0xffff, v2;
	v7 =	vadd.s32 v1, v10  }
0xa0: {  	[tilespmem:v6+s3+$0x0] =	vst.idx.add.f32.msk $0xffff, v2;
	v6 =	vadd.s32 v1, v11  }
0xa1: {  	v4 =	vtrunc.f32 v4;
	v9 =	vadd.s32 v1, v9;
	[tilespmem:v15+s3+$0x0] =	vst.idx.add.f32.msk $0xffff, v2  }
0xa2: {  	v4 =	vcvt.f32.s32 v4;
	v10 =	vld [tilespmem:s20+$0xFFFFFF40]  }
0xa3: {  	[tilespmem:v14+s3+$0x0] =	vst.idx.add.f32.msk $0xffff, v2  }
0xa4: {  	v4 =	vadd.s32 v1, v4;
	[tilespmem:v7+s3+$0x0] =	vst.idx.add.f32.msk $0xffff, v2  }
0xa5: {  	v7 =	vmul.f32 $4.096000000e+03, v18;
	[tilespmem:v5+s3+$0x0] =	vst.idx.add.f32.msk $0xffff, v2  }
0xa6: {  	v5 =	vmul.f32 $4.096000000e+03, v19;
	[tilespmem:v3+s3+$0x0] =	vst.idx.add.f32.msk $0xffff, v2  }
0xa7: {  	v3 =	vmul.f32 $4.096000000e+03, v13;
	[tilespmem:v9+s3+$0x0] =	vst.idx.add.f32.msk $0xffff, v2  }
0xa8: {  	v9 =	vmul.f32 $4.096000000e+03, v17;
	[tilespmem:v6+s3+$0x0] =	vst.idx.add.f32.msk $0xffff, v2  }
0xa9: {  	v3 =	vtrunc.f32 v3;
	[tilespmem:v4+s3+$0x0] =	vst.idx.add.f32.msk $0xffff, v2  }
0xaa: {  	v6 =	vtrunc.f32 v7;
	v4 =	vmul.f32 $4.096000000e+03, v10;
	[tilespmem:v8+s3+$0x0] =	vst.idx.add.f32.msk $0xffff, v2  }
0xab: {  	v7 =	vmul.f32 $4.096000000e+03, v16;
	v8 =	vld [tilespmem:s20+$0x20]  }
0xac: {  	v5 =	vtrunc.f32 v5;
	v10 =	vmul.f32 $4.096000000e+03, v12;
	v11 =	vld [tilespmem:s20+$0xFFFFFF10]  }
0xad: {  	v6 =	vcvt.f32.s32 v6;
	v7 =	vtrunc.f32 v7;
	v13 =	vld [tilespmem:s20+$0xFFFFFF50]  }
0xae: {  	v12 =	vcvt.f32.s32 v5;
	v7 =	vcvt.f32.s32 v7;
	v14 =	vld [tilespmem:s20+$0x50]  }
0xaf: {  	v3 =	vcvt.f32.s32 v3;
	v15 =	vtrunc.f32 v10;
	v6 =	vadd.s32 v1, v6;
	v5 =	vld [tilespmem:s20+$0xFFFFFF00]  }
0xb0: {  	v16 =	vtrunc.f32 v4;
	v7 =	vadd.s32 v1, v7;
	v4 =	vmul.f32 $4.096000000e+03, v8;
	v10 =	vld [tilespmem:s20+$0x60]  }
0xb1: {  	v17 =	vtrunc.f32 v9;
	v18 =	vadd.s32 v1, v3;
	v8 =	vmul.f32 $4.096000000e+03, v11;
	v9 =	vld [tilespmem:s20+$0x70]  }
.Ltmp6:
0xb2: {  	v12 =	vadd.s32 v1, v12;
	v3 =	vcvt.f32.s32 v15;
	v15 =	vtrunc.f32 v4;
	v11 =	vld [tilespmem:s20+$0x30];
	(pc) =	sbr.rel @p1 .LBB2_15-.Ltmp6, $4  }
0xb3: {  	v17 =	vcvt.f32.s32 v17;
	v8 =	vtrunc.f32 v8;
	v4 =	vld [tilespmem:s20+$0x40]  }
0xb4: {  	v3 =	vadd.s32 v1, v3;
	v19 =	vcvt.f32.s32 v15;
	v8 =	vcvt.f32.s32 v8;
	[tilespmem:v6+s3+$0x0] =	vst.idx.add.f32.msk $0xffff, v2  }
0xb5: {  	v15 =	vmul.f32 $4.096000000e+03, v13;
	v14 =	vmul.f32 $4.096000000e+03, v14;
	[tilespmem:v7+s3+$0x0] =	vst.idx.add.f32.msk $0xffff, v2;
	v7 =	vadd.s32 v1, v17  }
0xb6: {  	s20 =	sadd.s32 $0x200, s20;
	v13 =	vadd.s32 v1, v19;
	v6 =	vadd.s32 v1, v8;
	v8 =	vcvt.f32.s32 v16;
	[tilespmem:v18+s3+$0x0] =	vst.idx.add.f32.msk $0xffff, v2  }
0xb7: {  	v15 =	vtrunc.f32 v15;
	v10 =	vmul.f32 $4.096000000e+03, v10  }
0xb8: {  	v14 =	vtrunc.f32 v14;
	v5 =	vmul.f32 $4.096000000e+03, v5  }
0xb9: {  	v9 =	vmul.f32 $4.096000000e+03, v9;
	v11 =	vmul.f32 $4.096000000e+03, v11  }
0xba: {  	v15 =	vcvt.f32.s32 v15;
	v14 =	vcvt.f32.s32 v14  }
0xbb: {  	[tilespmem:v12+s3+$0x0] =	vst.idx.add.f32.msk $0xffff, v2;
	v4 =	vmul.f32 $4.096000000e+03, v4;
	v8 =	vadd.s32 v1, v8;
	v10 =	vtrunc.f32 v10  }
0xbc: {  	[tilespmem:v13+s3+$0x0] =	vst.idx.add.f32.msk $0xffff, v2;
	v5 =	vtrunc.f32 v5;
	v15 =	vadd.s32 v1, v15;
	v10 =	vcvt.f32.s32 v10  }
0xbd: {  	[tilespmem:v7+s3+$0x0] =	vst.idx.add.f32.msk $0xffff, v2;
	v9 =	vtrunc.f32 v9;
	v5 =	vcvt.f32.s32 v5;
	v59 =	vadd.s32 v1, v14  }
0xbe: {  	[tilespmem:v6+s3+$0x0] =	vst.idx.add.f32.msk $0xffff, v2;
	v11 =	vtrunc.f32 v11;
	v60 =	vcvt.f32.s32 v9;
	v10 =	vadd.s32 v1, v10  }
0xbf: {  	[tilespmem:v3+s3+$0x0] =	vst.idx.add.f32.msk $0xffff, v2;
	v61 =	vcvt.f32.s32 v11;
	v4 =	vtrunc.f32 v4;
	v5 =	vadd.s32 v1, v5  }
0xc0: {  	v4 =	vcvt.f32.s32 v4;
	v62 =	vadd.s32 v1, v60;
	[tilespmem:v8+s3+$0x0] =	vst.idx.add.f32.msk $0xffff, v2  }
0xc1: {  	v63 =	vadd.s32 v1, v61;
	[tilespmem:v15+s3+$0x0] =	vst.idx.add.f32.msk $0xffff, v2  }
0xc2: {  	v4 =	vadd.s32 v1, v4;
	[tilespmem:v59+s3+$0x0] =	vst.idx.add.f32.msk $0xffff, v2  }
.Ltmp7:
0xc3: {  	[tilespmem:v10+s3+$0x0] =	vst.idx.add.f32.msk $0xffff, v2;
	(pc) =	sbr.rel @p0 .LBB2_17-.Ltmp7, $4  }
0xc4: {  	[tilespmem:v5+s3+$0x0] =	vst.idx.add.f32.msk $0xffff, v2  }
0xc5: {  	[tilespmem:v62+s3+$0x0] =	vst.idx.add.f32.msk $0xffff, v2  }
0xc6: {  	[tilespmem:v63+s3+$0x0] =	vst.idx.add.f32.msk $0xffff, v2  }
0xc7: {  	[tilespmem:v4+s3+$0x0] =	vst.idx.add.f32.msk $0xffff, v2  }
0xc8: {  	s18 =	sadd.s32 s18, s7  }
0xc9: {  	s18 =	sshrl.u32 s18, $0x3  }
0xca: {  	s19 =	simm.s32 $0x10080;
	s18 =	sadd.s32 s1, s18  }
0xcb: {  	s20 =	simm.s32 $0x10;
	s21 =	simm.s32 $0x10180;
	s22 =	sadd.s32 $0x0, s18  }
.LBB2_22:
0xcc: {  	[tilespmem:s19], [sflag:$0x2] =	stream.linear.gather [hbm4b:s22+s3], $0x80, $0x38;
	[tilespmem:$0x13000] =	vst v63  }
0xcd: {  	s22 =	smov.u32 s20;
	s19 =	smov.u32 s21;
	p0 =	sne.s32 s20, $0x1F0  }
.Ltmp8:
0xce: {  	s20 =	sadd.s32 $0x10, s20;
	(pc) =	sbr.rel @p0 .LBB2_22-.Ltmp8, $2  }
0xcf: {  	_ =	sdelay $0x2  }
0xd0: {  	s21 =	sadd.s32 $0x100, s21;
	s22 =	sadd.s32 s22, s18  }
.Ltmp9:
0xd1: {  	(pc) =	sbr.rel .LBB2_8-.Ltmp9, $3  }
0xd2: {  	_ =	sdelay $0x1  }
0xd3: {  	[tilespmem:s19], [sflag:$0x2] =	stream.linear.gather [hbm4b:s22+s3], $0x80, $0x38;
	[tilespmem:$0x13000] =	vst v63  }
0xd4: {  	s17 =	sadd.s32 $0x1, s17  }
.LBB2_17:
0xd5: {  	s18 =	simm.s32 $0x0  }
0xd6: {  	s19 =	sand.u32 $0xFF0, s18;
	v4 =	vld [tilespmem:s18+$0x0]  }
0xd7: {  	v3 =	vld [tilespmem:s19+$0x1000];
	_ =	sdelay $0x1  }
0xd8: {  	v5 =	vld [tilespmem:s19+$0x2000];
	_ =	sdelay $0x1  }
0xd9: {  	v6 =	vld [tilespmem:s19+$0x3000]  }
0xda: {  	v3 =	vadd.f32 v3, v4  }
0xdb: {  	v4 =	vld [tilespmem:s19+$0x4000]  }
0xdc: {  	v3 =	vadd.f32 v5, v3  }
0xdd: {  	v5 =	vld [tilespmem:s19+$0x5000]  }
0xde: {  	v3 =	vadd.f32 v6, v3  }
0xdf: {  	v60 =	vld [tilespmem:s19+$0x6000]  }
0xe0: {  	v3 =	vadd.f32 v4, v3  }
0xe1: {  	v4 =	vld [tilespmem:s19+$0x7000]  }
0xe2: {  	v3 =	vadd.f32 v5, v3  }
0xe3: {  	v5 =	vld [tilespmem:s19+$0x8000]  }
0xe4: {  	v3 =	vadd.f32 v60, v3  }
0xe5: {  	v61 =	vld [tilespmem:s19+$0x9000]  }
0xe6: {  	v3 =	vadd.f32 v4, v3  }
0xe7: {  	v4 =	vld [tilespmem:s19+$0xA000]  }
0xe8: {  	v3 =	vadd.f32 v5, v3  }
0xe9: {  	v5 =	vld [tilespmem:s19+$0xB000]  }
0xea: {  	v3 =	vadd.f32 v61, v3  }
0xeb: {  	v62 =	vld [tilespmem:s19+$0xC000]  }
0xec: {  	v3 =	vadd.f32 v4, v3  }
0xed: {  	v4 =	vld [tilespmem:s19+$0xD000]  }
0xee: {  	v3 =	vadd.f32 v5, v3  }
0xef: {  	v5 =	vld [tilespmem:s19+$0xE000]  }
0xf0: {  	v3 =	vadd.f32 v62, v3  }
0xf1: {  	v63 =	vld [tilespmem:s19+$0xF000]  }
0xf2: {  	v3 =	vadd.f32 v4, v3;
	_ =	sdelay $0x1  }
0xf3: {  	v3 =	vadd.f32 v5, v3;
	_ =	sdelay $0x1  }
0xf4: {  	v3 =	vadd.f32 v63, v3  }
0xf5: {  	s17 =	simm.s32 $0x12000;
	s19 =	simm.s32 $0x10  }
0xf6: {  	s18 =	sand.u32 $0xFF0, s19;
	[tilespmem:s17+$0x0] =	vst v3  }
0xf7: {  	s20 =	simm.s32 $0x20;
	v3 =	vld [tilespmem:s18+$0x1000]  }
.LBB2_18:
0xf8: {  	p0 =	sne.s32 s20, $0xFF0;
	v4 =	vld [tilespmem:s19+$0x0];
	_ =	sdelay $0x1  }
0xf9: {  	v5 =	vld [tilespmem:s18+$0x2000];
	_ =	sdelay $0x1  }
0xfa: {  	v6 =	vld [tilespmem:s18+$0x3000]  }
0xfb: {  	v3 =	vadd.f32 v3, v4  }
0xfc: {  	v4 =	vld [tilespmem:s18+$0x4000]  }
0xfd: {  	v3 =	vadd.f32 v5, v3  }
0xfe: {  	v5 =	vld [tilespmem:s18+$0x5000]  }
0xff: {  	v3 =	vadd.f32 v6, v3  }
0x100: {  	v6 =	vld [tilespmem:s18+$0x6000]  }
0x101: {  	v3 =	vadd.f32 v4, v3  }
0x102: {  	v4 =	vld [tilespmem:s18+$0x7000]  }
0x103: {  	v3 =	vadd.f32 v5, v3  }
0x104: {  	v5 =	vld [tilespmem:s18+$0x8000]  }
0x105: {  	v3 =	vadd.f32 v6, v3  }
0x106: {  	v6 =	vld [tilespmem:s18+$0x9000]  }
0x107: {  	v3 =	vadd.f32 v4, v3  }
0x108: {  	v4 =	vld [tilespmem:s18+$0xA000]  }
0x109: {  	v3 =	vadd.f32 v5, v3  }
0x10a: {  	v5 =	vld [tilespmem:s18+$0xB000]  }
0x10b: {  	v3 =	vadd.f32 v6, v3  }
0x10c: {  	v6 =	vld [tilespmem:s18+$0xC000]  }
0x10d: {  	v3 =	vadd.f32 v4, v3  }
0x10e: {  	v4 =	vld [tilespmem:s18+$0xD000]  }
0x10f: {  	v3 =	vadd.f32 v5, v3  }
0x110: {  	v5 =	vld [tilespmem:s18+$0xE000]  }
0x111: {  	v3 =	vadd.f32 v6, v3  }
0x112: {  	v6 =	vld [tilespmem:s18+$0xF000]  }
0x113: {  	v3 =	vadd.f32 v4, v3;
	_ =	sdelay $0x1  }
0x114: {  	v3 =	vadd.f32 v5, v3  }
.Ltmp10:
0x115: {  	(pc) =	sbr.rel @p0 .LBB2_18-.Ltmp10, $4  }
0x116: {  	v3 =	vadd.f32 v6, v3  }
0x117: {  	s17 =	sadd.s32 $0x10, s17  }
0x118: {  	s18 =	sand.u32 $0xFF0, s20;
	[tilespmem:s17+$0x0] =	vst v3  }
0x119: {  	s19 =	sadd.s32 $0x10, s19;
	s20 =	sadd.s32 $0x10, s20;
	v3 =	vld [tilespmem:s18+$0x1000]  }
0x11a: {  	v4 =	vld [tilespmem:s19+$0x0];
	_ =	sdelay $0x1  }
0x11b: {  	v5 =	vld [tilespmem:s18+$0x2000];
	_ =	sdelay $0x1  }
0x11c: {  	v6 =	vld [tilespmem:s18+$0x3000]  }
0x11d: {  	v3 =	vadd.f32 v3, v4  }
0x11e: {  	v52 =	vld [tilespmem:s18+$0x4000]  }
0x11f: {  	v3 =	vadd.f32 v5, v3  }
0x120: {  	v53 =	vld [tilespmem:s18+$0x5000]  }
0x121: {  	v3 =	vadd.f32 v6, v3  }
0x122: {  	v54 =	vld [tilespmem:s18+$0x6000]  }
0x123: {  	v3 =	vadd.f32 v52, v3  }
0x124: {  	v55 =	vld [tilespmem:s18+$0x7000]  }
0x125: {  	v3 =	vadd.f32 v53, v3  }
0x126: {  	v56 =	vld [tilespmem:s18+$0x8000]  }
0x127: {  	v3 =	vadd.f32 v54, v3  }
0x128: {  	v57 =	vld [tilespmem:s18+$0x9000]  }
0x129: {  	v3 =	vadd.f32 v55, v3  }
0x12a: {  	v58 =	vld [tilespmem:s18+$0xA000]  }
0x12b: {  	v3 =	vadd.f32 v56, v3  }
0x12c: {  	v59 =	vld [tilespmem:s18+$0xB000]  }
0x12d: {  	v3 =	vadd.f32 v57, v3  }
0x12e: {  	v60 =	vld [tilespmem:s18+$0xC000]  }
0x12f: {  	v3 =	vadd.f32 v58, v3  }
0x130: {  	v61 =	vld [tilespmem:s18+$0xD000]  }
0x131: {  	v3 =	vadd.f32 v59, v3  }
0x132: {  	v62 =	vld [tilespmem:s18+$0xE000]  }
0x133: {  	v3 =	vadd.f32 v60, v3  }
0x134: {  	v63 =	vld [tilespmem:s18+$0xF000]  }
0x135: {  	v3 =	vadd.f32 v61, v3;
	_ =	sdelay $0x1  }
0x136: {  	v3 =	vadd.f32 v62, v3;
	_ =	sdelay $0x1  }
0x137: {  	s16 =	sadd.s32 $0x1, s16;
	v3 =	vadd.f32 v63, v3  }
0x138: {  	s17 =	sadd.s32 $0x10, s17;
	p0 =	sne.s32 s16, s9  }
.Ltmp11:
0x139: {  	[tilespmem:s17+$0x0] =	vst v3;
	(pc) =	sbr.rel @p0 .LBB2_1-.Ltmp11, $4  }
0x13a: {  	[hbm4b:s8+s12] =	stream.strided.scatter [tilespmem:s14], [sflag:$0x3], $0x1000, s13, s12, $0x38;
	[tilespmem:$0x13000] =	vst v63  }
0x13b: {  	_ =	swait.ge [sflag:s15], $0x1000  }
0x13c: {  	[sflag:s15] =	ssyncset.done $0x0  }
0x13d: {  	[sflag:s15] =	ssyncadd.s32 $0xFFFFF000  }
0x13e: {  	_ =	sfence.sel $0x180000  }
0x13f: {  	[bflag:$0x0] =	sbarrier.arrive $0xFFFF  }
0x140: {  	p0 =	sne.s32 s2, $0x0;
	_ =	strace $0x90000047  }
0x141: {  	s0 =	sadd.s32 @!p0 $0x100000, s0;
	[bflag:$0x2] =	sbarrier.arrive $0xFFFF  }
0x142: {  	[sflag:s0] =	ssyncadd.tile.s32 @!p0 $0x1;
	_ =	shalt  }
.Lfunc_end2:
_tile_overlayer_lowered:
.L_overlay_start_2:
0x143: {  	(tag) =	ssettag $0x2  }
0x144: {  	s0 =	rddreg [dreg:$0x0];
	s2 =	stileid.u32  }
0x145: {  	s1 =	rddreg [dreg:$0x1];
	p0 =	sne.s32 s2, $0x0  }
0x146: {  	s3 =	rddreg [dreg:$0x2];
	[bflag:$0x3] =	sbarrier.arrive $0xFFFF;
	s2 =	simm.s32 @!p0 $0x1C03  }
0x147: {  	[timem:s3], [sflag:s2] =	dma.local @!p0 [hbm:s0], s1  }
0x148: {  	s0 =	simm.s32 @!p0 $0x3  }
0x149: {  	_ =	swait.ge @!p0 [sflag:s0], s1  }
0x14a: {  	s1 =	ssub.s32 @!p0 $0x0, s1;
	[sflag:s0] =	ssyncset.done @!p0 $0x0  }
0x14b: {  	[sflag:s0] =	ssyncadd.s32 @!p0 s1  }
0x14c: {  	[bflag:$0x3] =	sbarrier.arrive $0xFFFF  }
0x14d: {  	_ =	shalt  }

</sc_bundles>
